<compile_context>
chip_gen: v7x
topology: tpu7x:2x2x1
jax: 0.10.2.dev20260603
libtpu: 0.0.44.dev20260713+nightly
codegen_flags: <defaults>
</compile_context>

<pallas_src>
import functools

import jax
import jax.numpy as jnp
from jax import lax
from jax.experimental import pallas as pl
from jax.experimental.pallas import tpu as pltpu
from jax.experimental.pallas import tpu_sc as plsc

N = 2048
FIN = 128
FOUT = 32
NC = 2
NS = 16
NW = NC * NS
SC_ROWS = 768
TC_ROWS = N - SC_ROWS
ROWS_PER = SC_ROWS // NW
RBLK = 2
NGRP = N // 16
BLK = 128


def _prep_body(x_ref, w_ref, a_ref, h_ref, s_ref, t_ref):
    h = jnp.dot(x_ref[...], w_ref[...], preferred_element_type=jnp.float32)
    h_ref[...] = h
    a0 = a_ref[0, :FOUT]
    a1 = a_ref[0, FOUT:]
    s_ref[...] = jnp.dot(h, a0, preferred_element_type=jnp.float32)[None, :]
    t_ref[...] = jnp.dot(h, a1, preferred_element_type=jnp.float32)[None, :]


def _tc_prep(x, W, a):
    return pl.pallas_call(
        _prep_body,
        out_shape=(
            jax.ShapeDtypeStruct((N, FOUT), jnp.float32),
            jax.ShapeDtypeStruct((1, N), jnp.float32),
            jax.ShapeDtypeStruct((1, N), jnp.float32),
        ),
    )(x, W, a)


def _tc_attn_body(adj_ref, h_ref, s_ref, t_ref, out_ref):
    i = pl.program_id(0)
    h = h_ref[...]
    s_blk = s_ref[0, pl.ds(SC_ROWS + i * BLK, BLK)]
    u = s_blk[:, None] + t_ref[0, :][None, :]
    lr = jnp.maximum(u, 0.2 * u)
    e = jnp.exp(-jnp.clip(lr, -50.0, 50.0))
    w = jnp.where(adj_ref[...] != 0, e, 0.0)
    numer = jnp.dot(w, h, preferred_element_type=jnp.float32)
    denom = jnp.sum(w, axis=1)
    hp = numer / denom[:, None]
    out_ref[...] = jnp.where(hp > 0, hp, jnp.exp(hp) - 1.0)


def _tc_attn(adj, h, s2, t2):
    return pl.pallas_call(
        _tc_attn_body,
        grid=(TC_ROWS // BLK,),
        in_specs=[
            pl.BlockSpec((BLK, N), lambda i: (i + SC_ROWS // BLK, 0)),
            pl.BlockSpec((N, FOUT), lambda i: (0, 0)),
            pl.BlockSpec((1, N), lambda i: (0, 0)),
            pl.BlockSpec((1, N), lambda i: (0, 0)),
        ],
        out_specs=pl.BlockSpec((BLK, FOUT), lambda i: (i, 0)),
        out_shape=jax.ShapeDtypeStruct((TC_ROWS, FOUT), jnp.float32),
        compiler_params=pltpu.CompilerParams(
            dimension_semantics=("arbitrary",),
        ),
    )(adj, h, s2, t2)


def _tc_wgen_body(adj_ref, s_ref, t_ref, wn_ref):
    i = pl.program_id(0)
    s_blk = s_ref[0, pl.ds(i * BLK, BLK)]
    u = s_blk[:, None] + t_ref[0, :][None, :]
    lr = jnp.maximum(u, 0.2 * u)
    e = jnp.exp(-jnp.clip(lr, -50.0, 50.0))
    w = jnp.where(adj_ref[...] != 0, e, 0.0)
    dn = jnp.sum(w, axis=1)
    wn_ref[...] = w * (1.0 / dn)[:, None]


def _tc_wgen(adj, s2, t2):
    return pl.pallas_call(
        _tc_wgen_body,
        grid=(SC_ROWS // BLK,),
        in_specs=[
            pl.BlockSpec((BLK, N), lambda i: (i, 0)),
            pl.BlockSpec((1, N), lambda i: (0, 0)),
            pl.BlockSpec((1, N), lambda i: (0, 0)),
        ],
        out_specs=pl.BlockSpec((BLK, N), lambda i: (i, 0)),
        out_shape=jax.ShapeDtypeStruct((SC_ROWS, N), jnp.float32),
        compiler_params=pltpu.CompilerParams(
            dimension_semantics=("arbitrary",),
        ),
    )(adj, s2, t2)


def _sc_body(wn_hbm, h_hbm, out_hbm, h_v, wv_buf, out_v):
    wid = lax.axis_index("s") * NC + lax.axis_index("c")
    row0 = wid * ROWS_PER
    pltpu.sync_copy(h_hbm, h_v)

    def chunk_body(c, carry_outer):
        pltpu.sync_copy(
            wn_hbm.at[pl.ds(row0 + c * RBLK, RBLK), :], wv_buf)

        def g_body(g, carry):
            lo = list(carry[0])
            hi = list(carry[1])
            j0 = g * 16
            ws = [wv_buf[r, pl.ds(j0, 16)] for r in range(RBLK)]
            for l in range(16):
                hlo = h_v[pl.ds((j0 + l) * FOUT, 16)]
                hhi = h_v[pl.ds((j0 + l) * FOUT + 16, 16)]
                for r in range(RBLK):
                    wl = ws[r][l]
                    lo[r] = lo[r] + wl * hlo
                    hi[r] = hi[r] + wl * hhi
            return (tuple(lo), tuple(hi))

        zero = jnp.zeros((16,), jnp.float32)
        init = (tuple(zero for _ in range(RBLK)),
                tuple(zero for _ in range(RBLK)))
        lo, hi = plsc.parallel_loop(0, NGRP, unroll=2, carry=init)(
            lambda g, c: g_body(g, c))
        for r in range(RBLK):
            plo = lo[r]
            phi = hi[r]
            plo = jnp.where(plo > 0, plo, jnp.exp(plo) - 1.0)
            phi = jnp.where(phi > 0, phi, jnp.exp(phi) - 1.0)
            ob = (c * RBLK + r) * FOUT
            out_v[pl.ds(ob, 16)] = plo
            out_v[pl.ds(ob + 16, 16)] = phi
        return carry_outer

    lax.fori_loop(0, ROWS_PER // RBLK, chunk_body, 0)
    pltpu.sync_copy(out_v, out_hbm.at[pl.ds(row0 * FOUT, ROWS_PER * FOUT)])


@functools.partial(
    pl.kernel,
    mesh=plsc.VectorSubcoreMesh(core_axis_name="c", subcore_axis_name="s"),
    out_type=jax.ShapeDtypeStruct((SC_ROWS * FOUT,), jnp.float32),
    scratch_types=[
        pltpu.VMEM((N * FOUT,), jnp.float32),
        pltpu.VMEM((RBLK, N), jnp.float32),
        pltpu.VMEM((ROWS_PER * FOUT,), jnp.float32),
    ],
)
def _sc_aggregate(wn_hbm, h_hbm, out_hbm, h_v, wv_buf, out_v):
    _sc_body(wn_hbm, h_hbm, out_hbm, h_v, wv_buf, out_v)


@jax.jit
def kernel(x, adj, W, a):
    h, s2, t2 = _tc_prep(x, W, a)
    wn = _tc_wgen(adj, s2, t2)
    out_sc = _sc_aggregate(wn, h.reshape(N * FOUT))
    out_tc = _tc_attn(adj, h, s2, t2)
    return jnp.concatenate(
        [out_sc.reshape(SC_ROWS, FOUT), out_tc], axis=0)

# --- scband reference (transcript-rebuilt; emitter-appended) ---
"""Pipeline reference for scband-sp-graph-attention-layer-64665027609117 (READ-ONLY COPY).

The authoritative reference and input builder live on the scoring server;
editing this copy changes nothing except your own understanding.
"""

import jax, jax.numpy as jnp
import numpy as np


def setup_inputs(seed: int = 0) -> dict:
    key = jax.random.key(seed)
    k1, k2, k3, k4 = jax.random.split(key, 4)
    N, Fin, Fout = 2048, 128, 32
    x = jax.random.normal(k1, (N, Fin), dtype=jnp.float32)
    # dense 0/1 adjacency; nonzero() inside reference extracts the edge list
    adj = jax.random.randint(k2, (N, N), 0, 2, dtype=jnp.int32)
    # xavier_normal_ with gain=1.414
    std_W = 1.414 * np.sqrt(2.0 / (Fin + Fout))
    W = jax.random.normal(k3, (Fin, Fout), dtype=jnp.float32) * std_W
    std_a = 1.414 * np.sqrt(2.0 / (1 + 2 * Fout))
    a = jax.random.normal(k4, (1, 2 * Fout), dtype=jnp.float32) * std_a
    return {"x": x, "adj": adj, "W": W, "a": a}


def reference(x, adj, W, a):
    alpha = 0.2
    N = x.shape[0]
    Fout = W.shape[1]
    # edge = adj.nonzero().t()  (row-major order matches torch)
    edge0, edge1 = jnp.nonzero(adj, size=adj.shape[0] * adj.shape[1], fill_value=N)
    # h = x @ W
    h = jnp.matmul(x, W)
    # a.mm(cat(h[e0], h[e1]).t()) == (h @ a[:, :F].T)[e0] + (h @ a[:, F:].T)[e1]
    s_src = jnp.matmul(h, a[0, :Fout])  # [N]
    s_dst = jnp.matmul(h, a[0, Fout:])  # [N]
    s = s_src[edge0] + s_dst[edge1]     # [E]
    lrelu = jnp.where(s > 0, s, alpha * s)
    edge_e = jnp.exp(-jnp.clip(lrelu, -50.0, 50.0))
    # e_rowsum = spmm(edge, edge_e, [N, N], ones(N, 1))
    e_rowsum = jax.ops.segment_sum(edge_e, edge0, num_segments=N)  # [N]
    # dropout with p=0.0 is identity
    # h_prime = spmm(edge, edge_e, [N, N], h)
    h_prime = jax.ops.segment_sum(edge_e[:, None] * h[edge1], edge0, num_segments=N)
    h_prime = h_prime / e_rowsum[:, None]
    # concat=True -> ELU
    return jax.nn.elu(h_prime)

if __name__ == "__main__":
    import jax
    _d = setup_inputs()
    print(jax.jit(kernel)(*tuple(_d.values())))

</pallas_src>

<mosaic_0001>
#map = affine_map<(d0, d1) -> (0, 0)>
#map1 = affine_map<(d0, d1) -> (0)>
module attributes {stable_mosaic.version = 14 : i64} {
  func.func @_sc_aggregate(%arg0: i32, %arg1: i32, %arg2: memref<768x2048xf32, #tpu.memory_space<hbm>>, %arg3: memref<65536xf32, #tpu.memory_space<hbm>>, %arg4: memref<24576xf32, #tpu.memory_space<hbm>>, %arg5: memref<65536xf32, #tpu.memory_space<vmem>>, %arg6: memref<2x2048xf32, #tpu.memory_space<vmem>>, %arg7: memref<768xf32, #tpu.memory_space<vmem>>) attributes {dimension_semantics = [#tpu.dimension_semantics<core_parallel>, #tpu.dimension_semantics<subcore_parallel>], iteration_bounds = array<i64: 2, 16>, scalar_prefetch = 0 : i64, scratch_operands = 3 : i64, tpu.core_type = #tpu.core_type<sc_vector_subcore>, window_params = [{transform_indices = #map}, {transform_indices = #map1}, {transform_indices = #map1}]} {
    %mul3A = arith.constant 2 : i32
    %mul3A_0 = arith.muli %arg1, %mul3A : i32
    %add3A = arith.addi %mul3A_0, %arg0 : i32
    %mul3A_1 = arith.constant 24 : i32
    %mul3A_2 = arith.muli %add3A, %mul3A_1 : i32
    "tpu.region"() ({
      %run_scoped3A = tpu.sem_alloc : memref<!tpu.dma_semaphore, #tpu.memory_space<semaphore_mem>>
      tpu.enqueue_dma source(%arg3 : memref<65536xf32, #tpu.memory_space<hbm>>) target(%arg5 : memref<65536xf32, #tpu.memory_space<vmem>>) target_semaphore(%run_scoped3A : memref<!tpu.dma_semaphore, #tpu.memory_space<semaphore_mem>>)
      tpu.wait_dma2 semaphore(%run_scoped3A : memref<!tpu.dma_semaphore, #tpu.memory_space<semaphore_mem>>) src(%arg3 : memref<65536xf32, #tpu.memory_space<hbm>>) dst(%arg5 : memref<65536xf32, #tpu.memory_space<vmem>>)
      tpu.yield
    }) : () -> ()
    %scan3A = arith.constant 0 : i32
    %scan3A_3 = arith.constant 0 : i32
    %scan3A_4 = arith.constant 12 : i32
    %scan3A_5 = arith.addi %scan3A_3, %scan3A_4 : i32
    %scan3A_6 = arith.constant 1 : i32
    scf.for %scan3A_10 = %scan3A_3 to %scan3A_5 step %scan3A_6  : i32 {
      %mul3A_11 = arith.constant 2 : i32
      %mul3A_12 = arith.muli %scan3A_10, %mul3A_11 : i32
      %add3A_13 = arith.addi %mul3A_2, %mul3A_12 : i32
      "tpu.region"() ({
        %run_scoped3A = tpu.sem_alloc : memref<!tpu.dma_semaphore, #tpu.memory_space<semaphore_mem>>
        %dma_start3A = arith.constant 0 : i32
        %dma_start3A_77 = tpu.memref_slice %arg2[%add3A_13, %dma_start3A] : memref<768x2048xf32, #tpu.memory_space<hbm>> -> memref<2x2048xf32, #tpu.memory_space<hbm>>
        %dma_start3A_78 = arith.constant 0 : i32
        %dma_start3A_79 = tpu.memref_slice %arg2[%add3A_13, %dma_start3A_78] : memref<768x2048xf32, #tpu.memory_space<hbm>> -> memref<2x2048xf32, #tpu.memory_space<hbm>>
        tpu.enqueue_dma source(%dma_start3A_79 : memref<2x2048xf32, #tpu.memory_space<hbm>>) target(%arg6 : memref<2x2048xf32, #tpu.memory_space<vmem>>) target_semaphore(%run_scoped3A : memref<!tpu.dma_semaphore, #tpu.memory_space<semaphore_mem>>)
        %dma_wait3A = arith.constant 0 : i32
        %dma_wait3A_80 = tpu.memref_slice %arg2[%add3A_13, %dma_wait3A] : memref<768x2048xf32, #tpu.memory_space<hbm>> -> memref<2x2048xf32, #tpu.memory_space<hbm>>
        %dma_wait3A_81 = arith.constant 0 : i32
        %dma_wait3A_82 = tpu.memref_slice %arg2[%add3A_13, %dma_wait3A_81] : memref<768x2048xf32, #tpu.memory_space<hbm>> -> memref<2x2048xf32, #tpu.memory_space<hbm>>
        tpu.wait_dma2 semaphore(%run_scoped3A : memref<!tpu.dma_semaphore, #tpu.memory_space<semaphore_mem>>) src(%dma_wait3A_82 : memref<2x2048xf32, #tpu.memory_space<hbm>>) dst(%arg6 : memref<2x2048xf32, #tpu.memory_space<vmem>>)
        tpu.yield
      }) : () -> ()
      %broadcast_in_dim3A = arith.constant 0.000000e+00 : f32
      %broadcast_in_dim3A_14 = vector.broadcast %broadcast_in_dim3A : f32 to vector<16xf32>
      %parallel_loop3A = arith.constant 0 : i32
      %parallel_loop3A_15 = arith.constant 128 : i32
      %parallel_loop3A_16 = arith.constant 1 : i32
      %parallel_loop3A_17:4 = scf.for %parallel_loop3A_77 = %parallel_loop3A to %parallel_loop3A_15 step %parallel_loop3A_16 iter_args(%parallel_loop3A_78 = %broadcast_in_dim3A_14, %parallel_loop3A_79 = %broadcast_in_dim3A_14, %parallel_loop3A_80 = %broadcast_in_dim3A_14, %parallel_loop3A_81 = %broadcast_in_dim3A_14) -> (vector<16xf32>, vector<16xf32>, vector<16xf32>, vector<16xf32>)  : i32 {
        %parallel_loop3A_82 = arith.constant 16 : i32
        %parallel_loop3A_83 = arith.muli %parallel_loop3A_77, %parallel_loop3A_82 : i32
        %parallel_loop3A_84 = arith.constant 0 : i32
        %parallel_loop3A_85 = arith.index_cast %parallel_loop3A_84 : i32 to index
        %parallel_loop3A_86 = arith.index_cast %parallel_loop3A_83 : i32 to index
        %parallel_loop3A_87 = tpu.vector_load %arg6[%parallel_loop3A_85, %parallel_loop3A_86] {strides = array<i32>} : memref<2x2048xf32, #tpu.memory_space<vmem>>, vector<1x16xf32>,
        %parallel_loop3A_88 = vector.shape_cast %parallel_loop3A_87 : vector<1x16xf32> to vector<16xf32>
        %parallel_loop3A_89 = arith.constant 1 : i32
        %parallel_loop3A_90 = arith.index_cast %parallel_loop3A_89 : i32 to index
        %parallel_loop3A_91 = arith.index_cast %parallel_loop3A_83 : i32 to index
        %parallel_loop3A_92 = tpu.vector_load %arg6[%parallel_loop3A_90, %parallel_loop3A_91] {strides = array<i32>} : memref<2x2048xf32, #tpu.memory_space<vmem>>, vector<1x16xf32>,
        %parallel_loop3A_93 = vector.shape_cast %parallel_loop3A_92 : vector<1x16xf32> to vector<16xf32>
        %parallel_loop3A_94 = arith.constant 0 : i32
        %parallel_loop3A_95 = arith.addi %parallel_loop3A_83, %parallel_loop3A_94 : i32
        %parallel_loop3A_96 = arith.constant 32 : i32
        %parallel_loop3A_97 = arith.muli %parallel_loop3A_95, %parallel_loop3A_96 : i32
        %parallel_loop3A_98 = arith.index_cast %parallel_loop3A_97 : i32 to index
        %parallel_loop3A_99 = tpu.vector_load %arg5[%parallel_loop3A_98] {strides = array<i32>} : memref<65536xf32, #tpu.memory_space<vmem>>, vector<16xf32>,
        %parallel_loop3A_100 = vector.shape_cast %parallel_loop3A_99 : vector<16xf32> to vector<16xf32>
        %parallel_loop3A_101 = arith.constant 0 : i32
        %parallel_loop3A_102 = arith.addi %parallel_loop3A_83, %parallel_loop3A_101 : i32
        %parallel_loop3A_103 = arith.constant 32 : i32
        %parallel_loop3A_104 = arith.muli %parallel_loop3A_102, %parallel_loop3A_103 : i32
        %parallel_loop3A_105 = arith.constant 16 : i32
        %parallel_loop3A_106 = arith.addi %parallel_loop3A_104, %parallel_loop3A_105 : i32
        %parallel_loop3A_107 = arith.index_cast %parallel_loop3A_106 : i32 to index
        %parallel_loop3A_108 = tpu.vector_load %arg5[%parallel_loop3A_107] {strides = array<i32>} : memref<65536xf32, #tpu.memory_space<vmem>>, vector<16xf32>,
        %parallel_loop3A_109 = vector.shape_cast %parallel_loop3A_108 : vector<16xf32> to vector<16xf32>
        %parallel_loop3A_110 = vector.extract_strided_slice %parallel_loop3A_88 {offsets = [0], sizes = [1], strides = [1]} : vector<16xf32> to vector<1xf32>
        %parallel_loop3A_111 = vector.extract %parallel_loop3A_110[0] : f32 from vector<1xf32>
        %parallel_loop3A_112 = vector.broadcast %parallel_loop3A_111 : f32 to vector<16xf32>
        %parallel_loop3A_113 = arith.mulf %parallel_loop3A_112, %parallel_loop3A_100 : vector<16xf32>
        %parallel_loop3A_114 = arith.addf %parallel_loop3A_78, %parallel_loop3A_113 : vector<16xf32>
        %parallel_loop3A_115 = vector.broadcast %parallel_loop3A_111 : f32 to vector<16xf32>
        %parallel_loop3A_116 = arith.mulf %parallel_loop3A_115, %parallel_loop3A_109 : vector<16xf32>
        %parallel_loop3A_117 = arith.addf %parallel_loop3A_80, %parallel_loop3A_116 : vector<16xf32>
        %parallel_loop3A_118 = vector.extract_strided_slice %parallel_loop3A_93 {offsets = [0], sizes = [1], strides = [1]} : vector<16xf32> to vector<1xf32>
        %parallel_loop3A_119 = vector.extract %parallel_loop3A_118[0] : f32 from vector<1xf32>
        %parallel_loop3A_120 = vector.broadcast %parallel_loop3A_119 : f32 to vector<16xf32>
        %parallel_loop3A_121 = arith.mulf %parallel_loop3A_120, %parallel_loop3A_100 : vector<16xf32>
        %parallel_loop3A_122 = arith.addf %parallel_loop3A_79, %parallel_loop3A_121 : vector<16xf32>
        %parallel_loop3A_123 = vector.broadcast %parallel_loop3A_119 : f32 to vector<16xf32>
        %parallel_loop3A_124 = arith.mulf %parallel_loop3A_123, %parallel_loop3A_109 : vector<16xf32>
        %parallel_loop3A_125 = arith.addf %parallel_loop3A_81, %parallel_loop3A_124 : vector<16xf32>
        %parallel_loop3A_126 = arith.constant 1 : i32
        %parallel_loop3A_127 = arith.addi %parallel_loop3A_83, %parallel_loop3A_126 : i32
        %parallel_loop3A_128 = arith.constant 32 : i32
        %parallel_loop3A_129 = arith.muli %parallel_loop3A_127, %parallel_loop3A_128 : i32
        %parallel_loop3A_130 = arith.index_cast %parallel_loop3A_129 : i32 to index
        %parallel_loop3A_131 = tpu.vector_load %arg5[%parallel_loop3A_130] {strides = array<i32>} : memref<65536xf32, #tpu.memory_space<vmem>>, vector<16xf32>,
        %parallel_loop3A_132 = vector.shape_cast %parallel_loop3A_131 : vector<16xf32> to vector<16xf32>
        %parallel_loop3A_133 = arith.constant 1 : i32
        %parallel_loop3A_134 = arith.addi %parallel_loop3A_83, %parallel_loop3A_133 : i32
        %parallel_loop3A_135 = arith.constant 32 : i32
        %parallel_loop3A_136 = arith.muli %parallel_loop3A_134, %parallel_loop3A_135 : i32
        %parallel_loop3A_137 = arith.constant 16 : i32
        %parallel_loop3A_138 = arith.addi %parallel_loop3A_136, %parallel_loop3A_137 : i32
        %parallel_loop3A_139 = arith.index_cast %parallel_loop3A_138 : i32 to index
        %parallel_loop3A_140 = tpu.vector_load %arg5[%parallel_loop3A_139] {strides = array<i32>} : memref<65536xf32, #tpu.memory_space<vmem>>, vector<16xf32>,
        %parallel_loop3A_141 = vector.shape_cast %parallel_loop3A_140 : vector<16xf32> to vector<16xf32>
        %parallel_loop3A_142 = vector.extract_strided_slice %parallel_loop3A_88 {offsets = [1], sizes = [1], strides = [1]} : vector<16xf32> to vector<1xf32>
        %parallel_loop3A_143 = vector.extract %parallel_loop3A_142[0] : f32 from vector<1xf32>
        %parallel_loop3A_144 = vector.broadcast %parallel_loop3A_143 : f32 to vector<16xf32>
        %parallel_loop3A_145 = arith.mulf %parallel_loop3A_144, %parallel_loop3A_132 : vector<16xf32>
        %parallel_loop3A_146 = arith.addf %parallel_loop3A_114, %parallel_loop3A_145 : vector<16xf32>
        %parallel_loop3A_147 = vector.broadcast %parallel_loop3A_143 : f32 to vector<16xf32>
        %parallel_loop3A_148 = arith.mulf %parallel_loop3A_147, %parallel_loop3A_141 : vector<16xf32>
        %parallel_loop3A_149 = arith.addf %parallel_loop3A_117, %parallel_loop3A_148 : vector<16xf32>
        %parallel_loop3A_150 = vector.extract_strided_slice %parallel_loop3A_93 {offsets = [1], sizes = [1], strides = [1]} : vector<16xf32> to vector<1xf32>
        %parallel_loop3A_151 = vector.extract %parallel_loop3A_150[0] : f32 from vector<1xf32>
        %parallel_loop3A_152 = vector.broadcast %parallel_loop3A_151 : f32 to vector<16xf32>
        %parallel_loop3A_153 = arith.mulf %parallel_loop3A_152, %parallel_loop3A_132 : vector<16xf32>
        %parallel_loop3A_154 = arith.addf %parallel_loop3A_122, %parallel_loop3A_153 : vector<16xf32>
        %parallel_loop3A_155 = vector.broadcast %parallel_loop3A_151 : f32 to vector<16xf32>
        %parallel_loop3A_156 = arith.mulf %parallel_loop3A_155, %parallel_loop3A_141 : vector<16xf32>
        %parallel_loop3A_157 = arith.addf %parallel_loop3A_125, %parallel_loop3A_156 : vector<16xf32>
        %parallel_loop3A_158 = arith.constant 2 : i32
        %parallel_loop3A_159 = arith.addi %parallel_loop3A_83, %parallel_loop3A_158 : i32
        %parallel_loop3A_160 = arith.constant 32 : i32
        %parallel_loop3A_161 = arith.muli %parallel_loop3A_159, %parallel_loop3A_160 : i32
        %parallel_loop3A_162 = arith.index_cast %parallel_loop3A_161 : i32 to index
        %parallel_loop3A_163 = tpu.vector_load %arg5[%parallel_loop3A_162] {strides = array<i32>} : memref<65536xf32, #tpu.memory_space<vmem>>, vector<16xf32>,
        %parallel_loop3A_164 = vector.shape_cast %parallel_loop3A_163 : vector<16xf32> to vector<16xf32>
        %parallel_loop3A_165 = arith.constant 2 : i32
        %parallel_loop3A_166 = arith.addi %parallel_loop3A_83, %parallel_loop3A_165 : i32
        %parallel_loop3A_167 = arith.constant 32 : i32
        %parallel_loop3A_168 = arith.muli %parallel_loop3A_166, %parallel_loop3A_167 : i32
        %parallel_loop3A_169 = arith.constant 16 : i32
        %parallel_loop3A_170 = arith.addi %parallel_loop3A_168, %parallel_loop3A_169 : i32
        %parallel_loop3A_171 = arith.index_cast %parallel_loop3A_170 : i32 to index
        %parallel_loop3A_172 = tpu.vector_load %arg5[%parallel_loop3A_171] {strides = array<i32>} : memref<65536xf32, #tpu.memory_space<vmem>>, vector<16xf32>,
        %parallel_loop3A_173 = vector.shape_cast %parallel_loop3A_172 : vector<16xf32> to vector<16xf32>
        %parallel_loop3A_174 = vector.extract_strided_slice %parallel_loop3A_88 {offsets = [2], sizes = [1], strides = [1]} : vector<16xf32> to vector<1xf32>
        %parallel_loop3A_175 = vector.extract %parallel_loop3A_174[0] : f32 from vector<1xf32>
        %parallel_loop3A_176 = vector.broadcast %parallel_loop3A_175 : f32 to vector<16xf32>
        %parallel_loop3A_177 = arith.mulf %parallel_loop3A_176, %parallel_loop3A_164 : vector<16xf32>
        %parallel_loop3A_178 = arith.addf %parallel_loop3A_146, %parallel_loop3A_177 : vector<16xf32>
        %parallel_loop3A_179 = vector.broadcast %parallel_loop3A_175 : f32 to vector<16xf32>
        %parallel_loop3A_180 = arith.mulf %parallel_loop3A_179, %parallel_loop3A_173 : vector<16xf32>
        %parallel_loop3A_181 = arith.addf %parallel_loop3A_149, %parallel_loop3A_180 : vector<16xf32>
        %parallel_loop3A_182 = vector.extract_strided_slice %parallel_loop3A_93 {offsets = [2], sizes = [1], strides = [1]} : vector<16xf32> to vector<1xf32>
        %parallel_loop3A_183 = vector.extract %parallel_loop3A_182[0] : f32 from vector<1xf32>
        %parallel_loop3A_184 = vector.broadcast %parallel_loop3A_183 : f32 to vector<16xf32>
        %parallel_loop3A_185 = arith.mulf %parallel_loop3A_184, %parallel_loop3A_164 : vector<16xf32>
        %parallel_loop3A_186 = arith.addf %parallel_loop3A_154, %parallel_loop3A_185 : vector<16xf32>
        %parallel_loop3A_187 = vector.broadcast %parallel_loop3A_183 : f32 to vector<16xf32>
        %parallel_loop3A_188 = arith.mulf %parallel_loop3A_187, %parallel_loop3A_173 : vector<16xf32>
        %parallel_loop3A_189 = arith.addf %parallel_loop3A_157, %parallel_loop3A_188 : vector<16xf32>
        %parallel_loop3A_190 = arith.constant 3 : i32
        %parallel_loop3A_191 = arith.addi %parallel_loop3A_83, %parallel_loop3A_190 : i32
        %parallel_loop3A_192 = arith.constant 32 : i32
        %parallel_loop3A_193 = arith.muli %parallel_loop3A_191, %parallel_loop3A_192 : i32
        %parallel_loop3A_194 = arith.index_cast %parallel_loop3A_193 : i32 to index
        %parallel_loop3A_195 = tpu.vector_load %arg5[%parallel_loop3A_194] {strides = array<i32>} : memref<65536xf32, #tpu.memory_space<vmem>>, vector<16xf32>,
        %parallel_loop3A_196 = vector.shape_cast %parallel_loop3A_195 : vector<16xf32> to vector<16xf32>
        %parallel_loop3A_197 = arith.constant 3 : i32
        %parallel_loop3A_198 = arith.addi %parallel_loop3A_83, %parallel_loop3A_197 : i32
        %parallel_loop3A_199 = arith.constant 32 : i32
        %parallel_loop3A_200 = arith.muli %parallel_loop3A_198, %parallel_loop3A_199 : i32
        %parallel_loop3A_201 = arith.constant 16 : i32
        %parallel_loop3A_202 = arith.addi %parallel_loop3A_200, %parallel_loop3A_201 : i32
        %parallel_loop3A_203 = arith.index_cast %parallel_loop3A_202 : i32 to index
        %parallel_loop3A_204 = tpu.vector_load %arg5[%parallel_loop3A_203] {strides = array<i32>} : memref<65536xf32, #tpu.memory_space<vmem>>, vector<16xf32>,
        %parallel_loop3A_205 = vector.shape_cast %parallel_loop3A_204 : vector<16xf32> to vector<16xf32>
        %parallel_loop3A_206 = vector.extract_strided_slice %parallel_loop3A_88 {offsets = [3], sizes = [1], strides = [1]} : vector<16xf32> to vector<1xf32>
        %parallel_loop3A_207 = vector.extract %parallel_loop3A_206[0] : f32 from vector<1xf32>
        %parallel_loop3A_208 = vector.broadcast %parallel_loop3A_207 : f32 to vector<16xf32>
        %parallel_loop3A_209 = arith.mulf %parallel_loop3A_208, %parallel_loop3A_196 : vector<16xf32>
        %parallel_loop3A_210 = arith.addf %parallel_loop3A_178, %parallel_loop3A_209 : vector<16xf32>
        %parallel_loop3A_211 = vector.broadcast %parallel_loop3A_207 : f32 to vector<16xf32>
        %parallel_loop3A_212 = arith.mulf %parallel_loop3A_211, %parallel_loop3A_205 : vector<16xf32>
        %parallel_loop3A_213 = arith.addf %parallel_loop3A_181, %parallel_loop3A_212 : vector<16xf32>
        %parallel_loop3A_214 = vector.extract_strided_slice %parallel_loop3A_93 {offsets = [3], sizes = [1], strides = [1]} : vector<16xf32> to vector<1xf32>
        %parallel_loop3A_215 = vector.extract %parallel_loop3A_214[0] : f32 from vector<1xf32>
        %parallel_loop3A_216 = vector.broadcast %parallel_loop3A_215 : f32 to vector<16xf32>
        %parallel_loop3A_217 = arith.mulf %parallel_loop3A_216, %parallel_loop3A_196 : vector<16xf32>
        %parallel_loop3A_218 = arith.addf %parallel_loop3A_186, %parallel_loop3A_217 : vector<16xf32>
        %parallel_loop3A_219 = vector.broadcast %parallel_loop3A_215 : f32 to vector<16xf32>
        %parallel_loop3A_220 = arith.mulf %parallel_loop3A_219, %parallel_loop3A_205 : vector<16xf32>
        %parallel_loop3A_221 = arith.addf %parallel_loop3A_189, %parallel_loop3A_220 : vector<16xf32>
        %parallel_loop3A_222 = arith.constant 4 : i32
        %parallel_loop3A_223 = arith.addi %parallel_loop3A_83, %parallel_loop3A_222 : i32
        %parallel_loop3A_224 = arith.constant 32 : i32
        %parallel_loop3A_225 = arith.muli %parallel_loop3A_223, %parallel_loop3A_224 : i32
        %parallel_loop3A_226 = arith.index_cast %parallel_loop3A_225 : i32 to index
        %parallel_loop3A_227 = tpu.vector_load %arg5[%parallel_loop3A_226] {strides = array<i32>} : memref<65536xf32, #tpu.memory_space<vmem>>, vector<16xf32>,
        %parallel_loop3A_228 = vector.shape_cast %parallel_loop3A_227 : vector<16xf32> to vector<16xf32>
        %parallel_loop3A_229 = arith.constant 4 : i32
        %parallel_loop3A_230 = arith.addi %parallel_loop3A_83, %parallel_loop3A_229 : i32
        %parallel_loop3A_231 = arith.constant 32 : i32
        %parallel_loop3A_232 = arith.muli %parallel_loop3A_230, %parallel_loop3A_231 : i32
        %parallel_loop3A_233 = arith.constant 16 : i32
        %parallel_loop3A_234 = arith.addi %parallel_loop3A_232, %parallel_loop3A_233 : i32
        %parallel_loop3A_235 = arith.index_cast %parallel_loop3A_234 : i32 to index
        %parallel_loop3A_236 = tpu.vector_load %arg5[%parallel_loop3A_235] {strides = array<i32>} : memref<65536xf32, #tpu.memory_space<vmem>>, vector<16xf32>,
        %parallel_loop3A_237 = vector.shape_cast %parallel_loop3A_236 : vector<16xf32> to vector<16xf32>
        %parallel_loop3A_238 = vector.extract_strided_slice %parallel_loop3A_88 {offsets = [4], sizes = [1], strides = [1]} : vector<16xf32> to vector<1xf32>
        %parallel_loop3A_239 = vector.extract %parallel_loop3A_238[0] : f32 from vector<1xf32>
        %parallel_loop3A_240 = vector.broadcast %parallel_loop3A_239 : f32 to vector<16xf32>
        %parallel_loop3A_241 = arith.mulf %parallel_loop3A_240, %parallel_loop3A_228 : vector<16xf32>
        %parallel_loop3A_242 = arith.addf %parallel_loop3A_210, %parallel_loop3A_241 : vector<16xf32>
        %parallel_loop3A_243 = vector.broadcast %parallel_loop3A_239 : f32 to vector<16xf32>
        %parallel_loop3A_244 = arith.mulf %parallel_loop3A_243, %parallel_loop3A_237 : vector<16xf32>
        %parallel_loop3A_245 = arith.addf %parallel_loop3A_213, %parallel_loop3A_244 : vector<16xf32>
        %parallel_loop3A_246 = vector.extract_strided_slice %parallel_loop3A_93 {offsets = [4], sizes = [1], strides = [1]} : vector<16xf32> to vector<1xf32>
        %parallel_loop3A_247 = vector.extract %parallel_loop3A_246[0] : f32 from vector<1xf32>
        %parallel_loop3A_248 = vector.broadcast %parallel_loop3A_247 : f32 to vector<16xf32>
        %parallel_loop3A_249 = arith.mulf %parallel_loop3A_248, %parallel_loop3A_228 : vector<16xf32>
        %parallel_loop3A_250 = arith.addf %parallel_loop3A_218, %parallel_loop3A_249 : vector<16xf32>
        %parallel_loop3A_251 = vector.broadcast %parallel_loop3A_247 : f32 to vector<16xf32>
        %parallel_loop3A_252 = arith.mulf %parallel_loop3A_251, %parallel_loop3A_237 : vector<16xf32>
        %parallel_loop3A_253 = arith.addf %parallel_loop3A_221, %parallel_loop3A_252 : vector<16xf32>
        %parallel_loop3A_254 = arith.constant 5 : i32
        %parallel_loop3A_255 = arith.addi %parallel_loop3A_83, %parallel_loop3A_254 : i32
        %parallel_loop3A_256 = arith.constant 32 : i32
        %parallel_loop3A_257 = arith.muli %parallel_loop3A_255, %parallel_loop3A_256 : i32
        %parallel_loop3A_258 = arith.index_cast %parallel_loop3A_257 : i32 to index
        %parallel_loop3A_259 = tpu.vector_load %arg5[%parallel_loop3A_258] {strides = array<i32>} : memref<65536xf32, #tpu.memory_space<vmem>>, vector<16xf32>,
        %parallel_loop3A_260 = vector.shape_cast %parallel_loop3A_259 : vector<16xf32> to vector<16xf32>
        %parallel_loop3A_261 = arith.constant 5 : i32
        %parallel_loop3A_262 = arith.addi %parallel_loop3A_83, %parallel_loop3A_261 : i32
        %parallel_loop3A_263 = arith.constant 32 : i32
        %parallel_loop3A_264 = arith.muli %parallel_loop3A_262, %parallel_loop3A_263 : i32
        %parallel_loop3A_265 = arith.constant 16 : i32
        %parallel_loop3A_266 = arith.addi %parallel_loop3A_264, %parallel_loop3A_265 : i32
        %parallel_loop3A_267 = arith.index_cast %parallel_loop3A_266 : i32 to index
        %parallel_loop3A_268 = tpu.vector_load %arg5[%parallel_loop3A_267] {strides = array<i32>} : memref<65536xf32, #tpu.memory_space<vmem>>, vector<16xf32>,
        %parallel_loop3A_269 = vector.shape_cast %parallel_loop3A_268 : vector<16xf32> to vector<16xf32>
        %parallel_loop3A_270 = vector.extract_strided_slice %parallel_loop3A_88 {offsets = [5], sizes = [1], strides = [1]} : vector<16xf32> to vector<1xf32>
        %parallel_loop3A_271 = vector.extract %parallel_loop3A_270[0] : f32 from vector<1xf32>
        %parallel_loop3A_272 = vector.broadcast %parallel_loop3A_271 : f32 to vector<16xf32>
        %parallel_loop3A_273 = arith.mulf %parallel_loop3A_272, %parallel_loop3A_260 : vector<16xf32>
        %parallel_loop3A_274 = arith.addf %parallel_loop3A_242, %parallel_loop3A_273 : vector<16xf32>
        %parallel_loop3A_275 = vector.broadcast %parallel_loop3A_271 : f32 to vector<16xf32>
        %parallel_loop3A_276 = arith.mulf %parallel_loop3A_275, %parallel_loop3A_269 : vector<16xf32>
        %parallel_loop3A_277 = arith.addf %parallel_loop3A_245, %parallel_loop3A_276 : vector<16xf32>
        %parallel_loop3A_278 = vector.extract_strided_slice %parallel_loop3A_93 {offsets = [5], sizes = [1], strides = [1]} : vector<16xf32> to vector<1xf32>
        %parallel_loop3A_279 = vector.extract %parallel_loop3A_278[0] : f32 from vector<1xf32>
        %parallel_loop3A_280 = vector.broadcast %parallel_loop3A_279 : f32 to vector<16xf32>
        %parallel_loop3A_281 = arith.mulf %parallel_loop3A_280, %parallel_loop3A_260 : vector<16xf32>
        %parallel_loop3A_282 = arith.addf %parallel_loop3A_250, %parallel_loop3A_281 : vector<16xf32>
        %parallel_loop3A_283 = vector.broadcast %parallel_loop3A_279 : f32 to vector<16xf32>
        %parallel_loop3A_284 = arith.mulf %parallel_loop3A_283, %parallel_loop3A_269 : vector<16xf32>
        %parallel_loop3A_285 = arith.addf %parallel_loop3A_253, %parallel_loop3A_284 : vector<16xf32>
        %parallel_loop3A_286 = arith.constant 6 : i32
        %parallel_loop3A_287 = arith.addi %parallel_loop3A_83, %parallel_loop3A_286 : i32
        %parallel_loop3A_288 = arith.constant 32 : i32
        %parallel_loop3A_289 = arith.muli %parallel_loop3A_287, %parallel_loop3A_288 : i32
        %parallel_loop3A_290 = arith.index_cast %parallel_loop3A_289 : i32 to index
        %parallel_loop3A_291 = tpu.vector_load %arg5[%parallel_loop3A_290] {strides = array<i32>} : memref<65536xf32, #tpu.memory_space<vmem>>, vector<16xf32>,
        %parallel_loop3A_292 = vector.shape_cast %parallel_loop3A_291 : vector<16xf32> to vector<16xf32>
        %parallel_loop3A_293 = arith.constant 6 : i32
        %parallel_loop3A_294 = arith.addi %parallel_loop3A_83, %parallel_loop3A_293 : i32
        %parallel_loop3A_295 = arith.constant 32 : i32
        %parallel_loop3A_296 = arith.muli %parallel_loop3A_294, %parallel_loop3A_295 : i32
        %parallel_loop3A_297 = arith.constant 16 : i32
        %parallel_loop3A_298 = arith.addi %parallel_loop3A_296, %parallel_loop3A_297 : i32
        %parallel_loop3A_299 = arith.index_cast %parallel_loop3A_298 : i32 to index
        %parallel_loop3A_300 = tpu.vector_load %arg5[%parallel_loop3A_299] {strides = array<i32>} : memref<65536xf32, #tpu.memory_space<vmem>>, vector<16xf32>,
        %parallel_loop3A_301 = vector.shape_cast %parallel_loop3A_300 : vector<16xf32> to vector<16xf32>
        %parallel_loop3A_302 = vector.extract_strided_slice %parallel_loop3A_88 {offsets = [6], sizes = [1], strides = [1]} : vector<16xf32> to vector<1xf32>
        %parallel_loop3A_303 = vector.extract %parallel_loop3A_302[0] : f32 from vector<1xf32>
        %parallel_loop3A_304 = vector.broadcast %parallel_loop3A_303 : f32 to vector<16xf32>
        %parallel_loop3A_305 = arith.mulf %parallel_loop3A_304, %parallel_loop3A_292 : vector<16xf32>
        %parallel_loop3A_306 = arith.addf %parallel_loop3A_274, %parallel_loop3A_305 : vector<16xf32>
        %parallel_loop3A_307 = vector.broadcast %parallel_loop3A_303 : f32 to vector<16xf32>
        %parallel_loop3A_308 = arith.mulf %parallel_loop3A_307, %parallel_loop3A_301 : vector<16xf32>
        %parallel_loop3A_309 = arith.addf %parallel_loop3A_277, %parallel_loop3A_308 : vector<16xf32>
        %parallel_loop3A_310 = vector.extract_strided_slice %parallel_loop3A_93 {offsets = [6], sizes = [1], strides = [1]} : vector<16xf32> to vector<1xf32>
        %parallel_loop3A_311 = vector.extract %parallel_loop3A_310[0] : f32 from vector<1xf32>
        %parallel_loop3A_312 = vector.broadcast %parallel_loop3A_311 : f32 to vector<16xf32>
        %parallel_loop3A_313 = arith.mulf %parallel_loop3A_312, %parallel_loop3A_292 : vector<16xf32>
        %parallel_loop3A_314 = arith.addf %parallel_loop3A_282, %parallel_loop3A_313 : vector<16xf32>
        %parallel_loop3A_315 = vector.broadcast %parallel_loop3A_311 : f32 to vector<16xf32>
        %parallel_loop3A_316 = arith.mulf %parallel_loop3A_315, %parallel_loop3A_301 : vector<16xf32>
        %parallel_loop3A_317 = arith.addf %parallel_loop3A_285, %parallel_loop3A_316 : vector<16xf32>
        %parallel_loop3A_318 = arith.constant 7 : i32
        %parallel_loop3A_319 = arith.addi %parallel_loop3A_83, %parallel_loop3A_318 : i32
        %parallel_loop3A_320 = arith.constant 32 : i32
        %parallel_loop3A_321 = arith.muli %parallel_loop3A_319, %parallel_loop3A_320 : i32
        %parallel_loop3A_322 = arith.index_cast %parallel_loop3A_321 : i32 to index
        %parallel_loop3A_323 = tpu.vector_load %arg5[%parallel_loop3A_322] {strides = array<i32>} : memref<65536xf32, #tpu.memory_space<vmem>>, vector<16xf32>,
        %parallel_loop3A_324 = vector.shape_cast %parallel_loop3A_323 : vector<16xf32> to vector<16xf32>
        %parallel_loop3A_325 = arith.constant 7 : i32
        %parallel_loop3A_326 = arith.addi %parallel_loop3A_83, %parallel_loop3A_325 : i32
        %parallel_loop3A_327 = arith.constant 32 : i32
        %parallel_loop3A_328 = arith.muli %parallel_loop3A_326, %parallel_loop3A_327 : i32
        %parallel_loop3A_329 = arith.constant 16 : i32
        %parallel_loop3A_330 = arith.addi %parallel_loop3A_328, %parallel_loop3A_329 : i32
        %parallel_loop3A_331 = arith.index_cast %parallel_loop3A_330 : i32 to index
        %parallel_loop3A_332 = tpu.vector_load %arg5[%parallel_loop3A_331] {strides = array<i32>} : memref<65536xf32, #tpu.memory_space<vmem>>, vector<16xf32>,
        %parallel_loop3A_333 = vector.shape_cast %parallel_loop3A_332 : vector<16xf32> to vector<16xf32>
        %parallel_loop3A_334 = vector.extract_strided_slice %parallel_loop3A_88 {offsets = [7], sizes = [1], strides = [1]} : vector<16xf32> to vector<1xf32>
        %parallel_loop3A_335 = vector.extract %parallel_loop3A_334[0] : f32 from vector<1xf32>
        %parallel_loop3A_336 = vector.broadcast %parallel_loop3A_335 : f32 to vector<16xf32>
        %parallel_loop3A_337 = arith.mulf %parallel_loop3A_336, %parallel_loop3A_324 : vector<16xf32>
        %parallel_loop3A_338 = arith.addf %parallel_loop3A_306, %parallel_loop3A_337 : vector<16xf32>
        %parallel_loop3A_339 = vector.broadcast %parallel_loop3A_335 : f32 to vector<16xf32>
        %parallel_loop3A_340 = arith.mulf %parallel_loop3A_339, %parallel_loop3A_333 : vector<16xf32>
        %parallel_loop3A_341 = arith.addf %parallel_loop3A_309, %parallel_loop3A_340 : vector<16xf32>
        %parallel_loop3A_342 = vector.extract_strided_slice %parallel_loop3A_93 {offsets = [7], sizes = [1], strides = [1]} : vector<16xf32> to vector<1xf32>
        %parallel_loop3A_343 = vector.extract %parallel_loop3A_342[0] : f32 from vector<1xf32>
        %parallel_loop3A_344 = vector.broadcast %parallel_loop3A_343 : f32 to vector<16xf32>
        %parallel_loop3A_345 = arith.mulf %parallel_loop3A_344, %parallel_loop3A_324 : vector<16xf32>
        %parallel_loop3A_346 = arith.addf %parallel_loop3A_314, %parallel_loop3A_345 : vector<16xf32>
        %parallel_loop3A_347 = vector.broadcast %parallel_loop3A_343 : f32 to vector<16xf32>
        %parallel_loop3A_348 = arith.mulf %parallel_loop3A_347, %parallel_loop3A_333 : vector<16xf32>
        %parallel_loop3A_349 = arith.addf %parallel_loop3A_317, %parallel_loop3A_348 : vector<16xf32>
        %parallel_loop3A_350 = arith.constant 8 : i32
        %parallel_loop3A_351 = arith.addi %parallel_loop3A_83, %parallel_loop3A_350 : i32
        %parallel_loop3A_352 = arith.constant 32 : i32
        %parallel_loop3A_353 = arith.muli %parallel_loop3A_351, %parallel_loop3A_352 : i32
        %parallel_loop3A_354 = arith.index_cast %parallel_loop3A_353 : i32 to index
        %parallel_loop3A_355 = tpu.vector_load %arg5[%parallel_loop3A_354] {strides = array<i32>} : memref<65536xf32, #tpu.memory_space<vmem>>, vector<16xf32>,
        %parallel_loop3A_356 = vector.shape_cast %parallel_loop3A_355 : vector<16xf32> to vector<16xf32>
        %parallel_loop3A_357 = arith.constant 8 : i32
        %parallel_loop3A_358 = arith.addi %parallel_loop3A_83, %parallel_loop3A_357 : i32
        %parallel_loop3A_359 = arith.constant 32 : i32
        %parallel_loop3A_360 = arith.muli %parallel_loop3A_358, %parallel_loop3A_359 : i32
        %parallel_loop3A_361 = arith.constant 16 : i32
        %parallel_loop3A_362 = arith.addi %parallel_loop3A_360, %parallel_loop3A_361 : i32
        %parallel_loop3A_363 = arith.index_cast %parallel_loop3A_362 : i32 to index
        %parallel_loop3A_364 = tpu.vector_load %arg5[%parallel_loop3A_363] {strides = array<i32>} : memref<65536xf32, #tpu.memory_space<vmem>>, vector<16xf32>,
        %parallel_loop3A_365 = vector.shape_cast %parallel_loop3A_364 : vector<16xf32> to vector<16xf32>
        %parallel_loop3A_366 = vector.extract_strided_slice %parallel_loop3A_88 {offsets = [8], sizes = [1], strides = [1]} : vector<16xf32> to vector<1xf32>
        %parallel_loop3A_367 = vector.extract %parallel_loop3A_366[0] : f32 from vector<1xf32>
        %parallel_loop3A_368 = vector.broadcast %parallel_loop3A_367 : f32 to vector<16xf32>
        %parallel_loop3A_369 = arith.mulf %parallel_loop3A_368, %parallel_loop3A_356 : vector<16xf32>
        %parallel_loop3A_370 = arith.addf %parallel_loop3A_338, %parallel_loop3A_369 : vector<16xf32>
        %parallel_loop3A_371 = vector.broadcast %parallel_loop3A_367 : f32 to vector<16xf32>
        %parallel_loop3A_372 = arith.mulf %parallel_loop3A_371, %parallel_loop3A_365 : vector<16xf32>
        %parallel_loop3A_373 = arith.addf %parallel_loop3A_341, %parallel_loop3A_372 : vector<16xf32>
        %parallel_loop3A_374 = vector.extract_strided_slice %parallel_loop3A_93 {offsets = [8], sizes = [1], strides = [1]} : vector<16xf32> to vector<1xf32>
        %parallel_loop3A_375 = vector.extract %parallel_loop3A_374[0] : f32 from vector<1xf32>
        %parallel_loop3A_376 = vector.broadcast %parallel_loop3A_375 : f32 to vector<16xf32>
        %parallel_loop3A_377 = arith.mulf %parallel_loop3A_376, %parallel_loop3A_356 : vector<16xf32>
        %parallel_loop3A_378 = arith.addf %parallel_loop3A_346, %parallel_loop3A_377 : vector<16xf32>
        %parallel_loop3A_379 = vector.broadcast %parallel_loop3A_375 : f32 to vector<16xf32>
        %parallel_loop3A_380 = arith.mulf %parallel_loop3A_379, %parallel_loop3A_365 : vector<16xf32>
        %parallel_loop3A_381 = arith.addf %parallel_loop3A_349, %parallel_loop3A_380 : vector<16xf32>
        %parallel_loop3A_382 = arith.constant 9 : i32
        %parallel_loop3A_383 = arith.addi %parallel_loop3A_83, %parallel_loop3A_382 : i32
        %parallel_loop3A_384 = arith.constant 32 : i32
        %parallel_loop3A_385 = arith.muli %parallel_loop3A_383, %parallel_loop3A_384 : i32
        %parallel_loop3A_386 = arith.index_cast %parallel_loop3A_385 : i32 to index
        %parallel_loop3A_387 = tpu.vector_load %arg5[%parallel_loop3A_386] {strides = array<i32>} : memref<65536xf32, #tpu.memory_space<vmem>>, vector<16xf32>,
        %parallel_loop3A_388 = vector.shape_cast %parallel_loop3A_387 : vector<16xf32> to vector<16xf32>
        %parallel_loop3A_389 = arith.constant 9 : i32
        %parallel_loop3A_390 = arith.addi %parallel_loop3A_83, %parallel_loop3A_389 : i32
        %parallel_loop3A_391 = arith.constant 32 : i32
        %parallel_loop3A_392 = arith.muli %parallel_loop3A_390, %parallel_loop3A_391 : i32
        %parallel_loop3A_393 = arith.constant 16 : i32
        %parallel_loop3A_394 = arith.addi %parallel_loop3A_392, %parallel_loop3A_393 : i32
        %parallel_loop3A_395 = arith.index_cast %parallel_loop3A_394 : i32 to index
        %parallel_loop3A_396 = tpu.vector_load %arg5[%parallel_loop3A_395] {strides = array<i32>} : memref<65536xf32, #tpu.memory_space<vmem>>, vector<16xf32>,
        %parallel_loop3A_397 = vector.shape_cast %parallel_loop3A_396 : vector<16xf32> to vector<16xf32>
        %parallel_loop3A_398 = vector.extract_strided_slice %parallel_loop3A_88 {offsets = [9], sizes = [1], strides = [1]} : vector<16xf32> to vector<1xf32>
        %parallel_loop3A_399 = vector.extract %parallel_loop3A_398[0] : f32 from vector<1xf32>
        %parallel_loop3A_400 = vector.broadcast %parallel_loop3A_399 : f32 to vector<16xf32>
        %parallel_loop3A_401 = arith.mulf %parallel_loop3A_400, %parallel_loop3A_388 : vector<16xf32>
        %parallel_loop3A_402 = arith.addf %parallel_loop3A_370, %parallel_loop3A_401 : vector<16xf32>
        %parallel_loop3A_403 = vector.broadcast %parallel_loop3A_399 : f32 to vector<16xf32>
        %parallel_loop3A_404 = arith.mulf %parallel_loop3A_403, %parallel_loop3A_397 : vector<16xf32>
        %parallel_loop3A_405 = arith.addf %parallel_loop3A_373, %parallel_loop3A_404 : vector<16xf32>
        %parallel_loop3A_406 = vector.extract_strided_slice %parallel_loop3A_93 {offsets = [9], sizes = [1], strides = [1]} : vector<16xf32> to vector<1xf32>
        %parallel_loop3A_407 = vector.extract %parallel_loop3A_406[0] : f32 from vector<1xf32>
        %parallel_loop3A_408 = vector.broadcast %parallel_loop3A_407 : f32 to vector<16xf32>
        %parallel_loop3A_409 = arith.mulf %parallel_loop3A_408, %parallel_loop3A_388 : vector<16xf32>
        %parallel_loop3A_410 = arith.addf %parallel_loop3A_378, %parallel_loop3A_409 : vector<16xf32>
        %parallel_loop3A_411 = vector.broadcast %parallel_loop3A_407 : f32 to vector<16xf32>
        %parallel_loop3A_412 = arith.mulf %parallel_loop3A_411, %parallel_loop3A_397 : vector<16xf32>
        %parallel_loop3A_413 = arith.addf %parallel_loop3A_381, %parallel_loop3A_412 : vector<16xf32>
        %parallel_loop3A_414 = arith.constant 10 : i32
        %parallel_loop3A_415 = arith.addi %parallel_loop3A_83, %parallel_loop3A_414 : i32
        %parallel_loop3A_416 = arith.constant 32 : i32
        %parallel_loop3A_417 = arith.muli %parallel_loop3A_415, %parallel_loop3A_416 : i32
        %parallel_loop3A_418 = arith.index_cast %parallel_loop3A_417 : i32 to index
        %parallel_loop3A_419 = tpu.vector_load %arg5[%parallel_loop3A_418] {strides = array<i32>} : memref<65536xf32, #tpu.memory_space<vmem>>, vector<16xf32>,
        %parallel_loop3A_420 = vector.shape_cast %parallel_loop3A_419 : vector<16xf32> to vector<16xf32>
        %parallel_loop3A_421 = arith.constant 10 : i32
        %parallel_loop3A_422 = arith.addi %parallel_loop3A_83, %parallel_loop3A_421 : i32
        %parallel_loop3A_423 = arith.constant 32 : i32
        %parallel_loop3A_424 = arith.muli %parallel_loop3A_422, %parallel_loop3A_423 : i32
        %parallel_loop3A_425 = arith.constant 16 : i32
        %parallel_loop3A_426 = arith.addi %parallel_loop3A_424, %parallel_loop3A_425 : i32
        %parallel_loop3A_427 = arith.index_cast %parallel_loop3A_426 : i32 to index
        %parallel_loop3A_428 = tpu.vector_load %arg5[%parallel_loop3A_427] {strides = array<i32>} : memref<65536xf32, #tpu.memory_space<vmem>>, vector<16xf32>,
        %parallel_loop3A_429 = vector.shape_cast %parallel_loop3A_428 : vector<16xf32> to vector<16xf32>
        %parallel_loop3A_430 = vector.extract_strided_slice %parallel_loop3A_88 {offsets = [10], sizes = [1], strides = [1]} : vector<16xf32> to vector<1xf32>
        %parallel_loop3A_431 = vector.extract %parallel_loop3A_430[0] : f32 from vector<1xf32>
        %parallel_loop3A_432 = vector.broadcast %parallel_loop3A_431 : f32 to vector<16xf32>
        %parallel_loop3A_433 = arith.mulf %parallel_loop3A_432, %parallel_loop3A_420 : vector<16xf32>
        %parallel_loop3A_434 = arith.addf %parallel_loop3A_402, %parallel_loop3A_433 : vector<16xf32>
        %parallel_loop3A_435 = vector.broadcast %parallel_loop3A_431 : f32 to vector<16xf32>
        %parallel_loop3A_436 = arith.mulf %parallel_loop3A_435, %parallel_loop3A_429 : vector<16xf32>
        %parallel_loop3A_437 = arith.addf %parallel_loop3A_405, %parallel_loop3A_436 : vector<16xf32>
        %parallel_loop3A_438 = vector.extract_strided_slice %parallel_loop3A_93 {offsets = [10], sizes = [1], strides = [1]} : vector<16xf32> to vector<1xf32>
        %parallel_loop3A_439 = vector.extract %parallel_loop3A_438[0] : f32 from vector<1xf32>
        %parallel_loop3A_440 = vector.broadcast %parallel_loop3A_439 : f32 to vector<16xf32>
        %parallel_loop3A_441 = arith.mulf %parallel_loop3A_440, %parallel_loop3A_420 : vector<16xf32>
        %parallel_loop3A_442 = arith.addf %parallel_loop3A_410, %parallel_loop3A_441 : vector<16xf32>
        %parallel_loop3A_443 = vector.broadcast %parallel_loop3A_439 : f32 to vector<16xf32>
        %parallel_loop3A_444 = arith.mulf %parallel_loop3A_443, %parallel_loop3A_429 : vector<16xf32>
        %parallel_loop3A_445 = arith.addf %parallel_loop3A_413, %parallel_loop3A_444 : vector<16xf32>
        %parallel_loop3A_446 = arith.constant 11 : i32
        %parallel_loop3A_447 = arith.addi %parallel_loop3A_83, %parallel_loop3A_446 : i32
        %parallel_loop3A_448 = arith.constant 32 : i32
        %parallel_loop3A_449 = arith.muli %parallel_loop3A_447, %parallel_loop3A_448 : i32
        %parallel_loop3A_450 = arith.index_cast %parallel_loop3A_449 : i32 to index
        %parallel_loop3A_451 = tpu.vector_load %arg5[%parallel_loop3A_450] {strides = array<i32>} : memref<65536xf32, #tpu.memory_space<vmem>>, vector<16xf32>,
        %parallel_loop3A_452 = vector.shape_cast %parallel_loop3A_451 : vector<16xf32> to vector<16xf32>
        %parallel_loop3A_453 = arith.constant 11 : i32
        %parallel_loop3A_454 = arith.addi %parallel_loop3A_83, %parallel_loop3A_453 : i32
        %parallel_loop3A_455 = arith.constant 32 : i32
        %parallel_loop3A_456 = arith.muli %parallel_loop3A_454, %parallel_loop3A_455 : i32
        %parallel_loop3A_457 = arith.constant 16 : i32
        %parallel_loop3A_458 = arith.addi %parallel_loop3A_456, %parallel_loop3A_457 : i32
        %parallel_loop3A_459 = arith.index_cast %parallel_loop3A_458 : i32 to index
        %parallel_loop3A_460 = tpu.vector_load %arg5[%parallel_loop3A_459] {strides = array<i32>} : memref<65536xf32, #tpu.memory_space<vmem>>, vector<16xf32>,
        %parallel_loop3A_461 = vector.shape_cast %parallel_loop3A_460 : vector<16xf32> to vector<16xf32>
        %parallel_loop3A_462 = vector.extract_strided_slice %parallel_loop3A_88 {offsets = [11], sizes = [1], strides = [1]} : vector<16xf32> to vector<1xf32>
        %parallel_loop3A_463 = vector.extract %parallel_loop3A_462[0] : f32 from vector<1xf32>
        %parallel_loop3A_464 = vector.broadcast %parallel_loop3A_463 : f32 to vector<16xf32>
        %parallel_loop3A_465 = arith.mulf %parallel_loop3A_464, %parallel_loop3A_452 : vector<16xf32>
        %parallel_loop3A_466 = arith.addf %parallel_loop3A_434, %parallel_loop3A_465 : vector<16xf32>
        %parallel_loop3A_467 = vector.broadcast %parallel_loop3A_463 : f32 to vector<16xf32>
        %parallel_loop3A_468 = arith.mulf %parallel_loop3A_467, %parallel_loop3A_461 : vector<16xf32>
        %parallel_loop3A_469 = arith.addf %parallel_loop3A_437, %parallel_loop3A_468 : vector<16xf32>
        %parallel_loop3A_470 = vector.extract_strided_slice %parallel_loop3A_93 {offsets = [11], sizes = [1], strides = [1]} : vector<16xf32> to vector<1xf32>
        %parallel_loop3A_471 = vector.extract %parallel_loop3A_470[0] : f32 from vector<1xf32>
        %parallel_loop3A_472 = vector.broadcast %parallel_loop3A_471 : f32 to vector<16xf32>
        %parallel_loop3A_473 = arith.mulf %parallel_loop3A_472, %parallel_loop3A_452 : vector<16xf32>
        %parallel_loop3A_474 = arith.addf %parallel_loop3A_442, %parallel_loop3A_473 : vector<16xf32>
        %parallel_loop3A_475 = vector.broadcast %parallel_loop3A_471 : f32 to vector<16xf32>
        %parallel_loop3A_476 = arith.mulf %parallel_loop3A_475, %parallel_loop3A_461 : vector<16xf32>
        %parallel_loop3A_477 = arith.addf %parallel_loop3A_445, %parallel_loop3A_476 : vector<16xf32>
        %parallel_loop3A_478 = arith.constant 12 : i32
        %parallel_loop3A_479 = arith.addi %parallel_loop3A_83, %parallel_loop3A_478 : i32
        %parallel_loop3A_480 = arith.constant 32 : i32
        %parallel_loop3A_481 = arith.muli %parallel_loop3A_479, %parallel_loop3A_480 : i32
        %parallel_loop3A_482 = arith.index_cast %parallel_loop3A_481 : i32 to index
        %parallel_loop3A_483 = tpu.vector_load %arg5[%parallel_loop3A_482] {strides = array<i32>} : memref<65536xf32, #tpu.memory_space<vmem>>, vector<16xf32>,
        %parallel_loop3A_484 = vector.shape_cast %parallel_loop3A_483 : vector<16xf32> to vector<16xf32>
        %parallel_loop3A_485 = arith.constant 12 : i32
        %parallel_loop3A_486 = arith.addi %parallel_loop3A_83, %parallel_loop3A_485 : i32
        %parallel_loop3A_487 = arith.constant 32 : i32
        %parallel_loop3A_488 = arith.muli %parallel_loop3A_486, %parallel_loop3A_487 : i32
        %parallel_loop3A_489 = arith.constant 16 : i32
        %parallel_loop3A_490 = arith.addi %parallel_loop3A_488, %parallel_loop3A_489 : i32
        %parallel_loop3A_491 = arith.index_cast %parallel_loop3A_490 : i32 to index
        %parallel_loop3A_492 = tpu.vector_load %arg5[%parallel_loop3A_491] {strides = array<i32>} : memref<65536xf32, #tpu.memory_space<vmem>>, vector<16xf32>,
        %parallel_loop3A_493 = vector.shape_cast %parallel_loop3A_492 : vector<16xf32> to vector<16xf32>
        %parallel_loop3A_494 = vector.extract_strided_slice %parallel_loop3A_88 {offsets = [12], sizes = [1], strides = [1]} : vector<16xf32> to vector<1xf32>
        %parallel_loop3A_495 = vector.extract %parallel_loop3A_494[0] : f32 from vector<1xf32>
        %parallel_loop3A_496 = vector.broadcast %parallel_loop3A_495 : f32 to vector<16xf32>
        %parallel_loop3A_497 = arith.mulf %parallel_loop3A_496, %parallel_loop3A_484 : vector<16xf32>
        %parallel_loop3A_498 = arith.addf %parallel_loop3A_466, %parallel_loop3A_497 : vector<16xf32>
        %parallel_loop3A_499 = vector.broadcast %parallel_loop3A_495 : f32 to vector<16xf32>
        %parallel_loop3A_500 = arith.mulf %parallel_loop3A_499, %parallel_loop3A_493 : vector<16xf32>
        %parallel_loop3A_501 = arith.addf %parallel_loop3A_469, %parallel_loop3A_500 : vector<16xf32>
        %parallel_loop3A_502 = vector.extract_strided_slice %parallel_loop3A_93 {offsets = [12], sizes = [1], strides = [1]} : vector<16xf32> to vector<1xf32>
        %parallel_loop3A_503 = vector.extract %parallel_loop3A_502[0] : f32 from vector<1xf32>
        %parallel_loop3A_504 = vector.broadcast %parallel_loop3A_503 : f32 to vector<16xf32>
        %parallel_loop3A_505 = arith.mulf %parallel_loop3A_504, %parallel_loop3A_484 : vector<16xf32>
        %parallel_loop3A_506 = arith.addf %parallel_loop3A_474, %parallel_loop3A_505 : vector<16xf32>
        %parallel_loop3A_507 = vector.broadcast %parallel_loop3A_503 : f32 to vector<16xf32>
        %parallel_loop3A_508 = arith.mulf %parallel_loop3A_507, %parallel_loop3A_493 : vector<16xf32>
        %parallel_loop3A_509 = arith.addf %parallel_loop3A_477, %parallel_loop3A_508 : vector<16xf32>
        %parallel_loop3A_510 = arith.constant 13 : i32
        %parallel_loop3A_511 = arith.addi %parallel_loop3A_83, %parallel_loop3A_510 : i32
        %parallel_loop3A_512 = arith.constant 32 : i32
        %parallel_loop3A_513 = arith.muli %parallel_loop3A_511, %parallel_loop3A_512 : i32
        %parallel_loop3A_514 = arith.index_cast %parallel_loop3A_513 : i32 to index
        %parallel_loop3A_515 = tpu.vector_load %arg5[%parallel_loop3A_514] {strides = array<i32>} : memref<65536xf32, #tpu.memory_space<vmem>>, vector<16xf32>,
        %parallel_loop3A_516 = vector.shape_cast %parallel_loop3A_515 : vector<16xf32> to vector<16xf32>
        %parallel_loop3A_517 = arith.constant 13 : i32
        %parallel_loop3A_518 = arith.addi %parallel_loop3A_83, %parallel_loop3A_517 : i32
        %parallel_loop3A_519 = arith.constant 32 : i32
        %parallel_loop3A_520 = arith.muli %parallel_loop3A_518, %parallel_loop3A_519 : i32
        %parallel_loop3A_521 = arith.constant 16 : i32
        %parallel_loop3A_522 = arith.addi %parallel_loop3A_520, %parallel_loop3A_521 : i32
        %parallel_loop3A_523 = arith.index_cast %parallel_loop3A_522 : i32 to index
        %parallel_loop3A_524 = tpu.vector_load %arg5[%parallel_loop3A_523] {strides = array<i32>} : memref<65536xf32, #tpu.memory_space<vmem>>, vector<16xf32>,
        %parallel_loop3A_525 = vector.shape_cast %parallel_loop3A_524 : vector<16xf32> to vector<16xf32>
        %parallel_loop3A_526 = vector.extract_strided_slice %parallel_loop3A_88 {offsets = [13], sizes = [1], strides = [1]} : vector<16xf32> to vector<1xf32>
        %parallel_loop3A_527 = vector.extract %parallel_loop3A_526[0] : f32 from vector<1xf32>
        %parallel_loop3A_528 = vector.broadcast %parallel_loop3A_527 : f32 to vector<16xf32>
        %parallel_loop3A_529 = arith.mulf %parallel_loop3A_528, %parallel_loop3A_516 : vector<16xf32>
        %parallel_loop3A_530 = arith.addf %parallel_loop3A_498, %parallel_loop3A_529 : vector<16xf32>
        %parallel_loop3A_531 = vector.broadcast %parallel_loop3A_527 : f32 to vector<16xf32>
        %parallel_loop3A_532 = arith.mulf %parallel_loop3A_531, %parallel_loop3A_525 : vector<16xf32>
        %parallel_loop3A_533 = arith.addf %parallel_loop3A_501, %parallel_loop3A_532 : vector<16xf32>
        %parallel_loop3A_534 = vector.extract_strided_slice %parallel_loop3A_93 {offsets = [13], sizes = [1], strides = [1]} : vector<16xf32> to vector<1xf32>
        %parallel_loop3A_535 = vector.extract %parallel_loop3A_534[0] : f32 from vector<1xf32>
        %parallel_loop3A_536 = vector.broadcast %parallel_loop3A_535 : f32 to vector<16xf32>
        %parallel_loop3A_537 = arith.mulf %parallel_loop3A_536, %parallel_loop3A_516 : vector<16xf32>
        %parallel_loop3A_538 = arith.addf %parallel_loop3A_506, %parallel_loop3A_537 : vector<16xf32>
        %parallel_loop3A_539 = vector.broadcast %parallel_loop3A_535 : f32 to vector<16xf32>
        %parallel_loop3A_540 = arith.mulf %parallel_loop3A_539, %parallel_loop3A_525 : vector<16xf32>
        %parallel_loop3A_541 = arith.addf %parallel_loop3A_509, %parallel_loop3A_540 : vector<16xf32>
        %parallel_loop3A_542 = arith.constant 14 : i32
        %parallel_loop3A_543 = arith.addi %parallel_loop3A_83, %parallel_loop3A_542 : i32
        %parallel_loop3A_544 = arith.constant 32 : i32
        %parallel_loop3A_545 = arith.muli %parallel_loop3A_543, %parallel_loop3A_544 : i32
        %parallel_loop3A_546 = arith.index_cast %parallel_loop3A_545 : i32 to index
        %parallel_loop3A_547 = tpu.vector_load %arg5[%parallel_loop3A_546] {strides = array<i32>} : memref<65536xf32, #tpu.memory_space<vmem>>, vector<16xf32>,
        %parallel_loop3A_548 = vector.shape_cast %parallel_loop3A_547 : vector<16xf32> to vector<16xf32>
        %parallel_loop3A_549 = arith.constant 14 : i32
        %parallel_loop3A_550 = arith.addi %parallel_loop3A_83, %parallel_loop3A_549 : i32
        %parallel_loop3A_551 = arith.constant 32 : i32
        %parallel_loop3A_552 = arith.muli %parallel_loop3A_550, %parallel_loop3A_551 : i32
        %parallel_loop3A_553 = arith.constant 16 : i32
        %parallel_loop3A_554 = arith.addi %parallel_loop3A_552, %parallel_loop3A_553 : i32
        %parallel_loop3A_555 = arith.index_cast %parallel_loop3A_554 : i32 to index
        %parallel_loop3A_556 = tpu.vector_load %arg5[%parallel_loop3A_555] {strides = array<i32>} : memref<65536xf32, #tpu.memory_space<vmem>>, vector<16xf32>,
        %parallel_loop3A_557 = vector.shape_cast %parallel_loop3A_556 : vector<16xf32> to vector<16xf32>
        %parallel_loop3A_558 = vector.extract_strided_slice %parallel_loop3A_88 {offsets = [14], sizes = [1], strides = [1]} : vector<16xf32> to vector<1xf32>
        %parallel_loop3A_559 = vector.extract %parallel_loop3A_558[0] : f32 from vector<1xf32>
        %parallel_loop3A_560 = vector.broadcast %parallel_loop3A_559 : f32 to vector<16xf32>
        %parallel_loop3A_561 = arith.mulf %parallel_loop3A_560, %parallel_loop3A_548 : vector<16xf32>
        %parallel_loop3A_562 = arith.addf %parallel_loop3A_530, %parallel_loop3A_561 : vector<16xf32>
        %parallel_loop3A_563 = vector.broadcast %parallel_loop3A_559 : f32 to vector<16xf32>
        %parallel_loop3A_564 = arith.mulf %parallel_loop3A_563, %parallel_loop3A_557 : vector<16xf32>
        %parallel_loop3A_565 = arith.addf %parallel_loop3A_533, %parallel_loop3A_564 : vector<16xf32>
        %parallel_loop3A_566 = vector.extract_strided_slice %parallel_loop3A_93 {offsets = [14], sizes = [1], strides = [1]} : vector<16xf32> to vector<1xf32>
        %parallel_loop3A_567 = vector.extract %parallel_loop3A_566[0] : f32 from vector<1xf32>
        %parallel_loop3A_568 = vector.broadcast %parallel_loop3A_567 : f32 to vector<16xf32>
        %parallel_loop3A_569 = arith.mulf %parallel_loop3A_568, %parallel_loop3A_548 : vector<16xf32>
        %parallel_loop3A_570 = arith.addf %parallel_loop3A_538, %parallel_loop3A_569 : vector<16xf32>
        %parallel_loop3A_571 = vector.broadcast %parallel_loop3A_567 : f32 to vector<16xf32>
        %parallel_loop3A_572 = arith.mulf %parallel_loop3A_571, %parallel_loop3A_557 : vector<16xf32>
        %parallel_loop3A_573 = arith.addf %parallel_loop3A_541, %parallel_loop3A_572 : vector<16xf32>
        %parallel_loop3A_574 = arith.constant 15 : i32
        %parallel_loop3A_575 = arith.addi %parallel_loop3A_83, %parallel_loop3A_574 : i32
        %parallel_loop3A_576 = arith.constant 32 : i32
        %parallel_loop3A_577 = arith.muli %parallel_loop3A_575, %parallel_loop3A_576 : i32
        %parallel_loop3A_578 = arith.index_cast %parallel_loop3A_577 : i32 to index
        %parallel_loop3A_579 = tpu.vector_load %arg5[%parallel_loop3A_578] {strides = array<i32>} : memref<65536xf32, #tpu.memory_space<vmem>>, vector<16xf32>,
        %parallel_loop3A_580 = vector.shape_cast %parallel_loop3A_579 : vector<16xf32> to vector<16xf32>
        %parallel_loop3A_581 = arith.constant 15 : i32
        %parallel_loop3A_582 = arith.addi %parallel_loop3A_83, %parallel_loop3A_581 : i32
        %parallel_loop3A_583 = arith.constant 32 : i32
        %parallel_loop3A_584 = arith.muli %parallel_loop3A_582, %parallel_loop3A_583 : i32
        %parallel_loop3A_585 = arith.constant 16 : i32
        %parallel_loop3A_586 = arith.addi %parallel_loop3A_584, %parallel_loop3A_585 : i32
        %parallel_loop3A_587 = arith.index_cast %parallel_loop3A_586 : i32 to index
        %parallel_loop3A_588 = tpu.vector_load %arg5[%parallel_loop3A_587] {strides = array<i32>} : memref<65536xf32, #tpu.memory_space<vmem>>, vector<16xf32>,
        %parallel_loop3A_589 = vector.shape_cast %parallel_loop3A_588 : vector<16xf32> to vector<16xf32>
        %parallel_loop3A_590 = vector.extract_strided_slice %parallel_loop3A_88 {offsets = [15], sizes = [1], strides = [1]} : vector<16xf32> to vector<1xf32>
        %parallel_loop3A_591 = vector.extract %parallel_loop3A_590[0] : f32 from vector<1xf32>
        %parallel_loop3A_592 = vector.broadcast %parallel_loop3A_591 : f32 to vector<16xf32>
        %parallel_loop3A_593 = arith.mulf %parallel_loop3A_592, %parallel_loop3A_580 : vector<16xf32>
        %parallel_loop3A_594 = arith.addf %parallel_loop3A_562, %parallel_loop3A_593 : vector<16xf32>
        %parallel_loop3A_595 = vector.broadcast %parallel_loop3A_591 : f32 to vector<16xf32>
        %parallel_loop3A_596 = arith.mulf %parallel_loop3A_595, %parallel_loop3A_589 : vector<16xf32>
        %parallel_loop3A_597 = arith.addf %parallel_loop3A_565, %parallel_loop3A_596 : vector<16xf32>
        %parallel_loop3A_598 = vector.extract_strided_slice %parallel_loop3A_93 {offsets = [15], sizes = [1], strides = [1]} : vector<16xf32> to vector<1xf32>
        %parallel_loop3A_599 = vector.extract %parallel_loop3A_598[0] : f32 from vector<1xf32>
        %parallel_loop3A_600 = vector.broadcast %parallel_loop3A_599 : f32 to vector<16xf32>
        %parallel_loop3A_601 = arith.mulf %parallel_loop3A_600, %parallel_loop3A_580 : vector<16xf32>
        %parallel_loop3A_602 = arith.addf %parallel_loop3A_570, %parallel_loop3A_601 : vector<16xf32>
        %parallel_loop3A_603 = vector.broadcast %parallel_loop3A_599 : f32 to vector<16xf32>
        %parallel_loop3A_604 = arith.mulf %parallel_loop3A_603, %parallel_loop3A_589 : vector<16xf32>
        %parallel_loop3A_605 = arith.addf %parallel_loop3A_573, %parallel_loop3A_604 : vector<16xf32>
        scf.yield %parallel_loop3A_594, %parallel_loop3A_602, %parallel_loop3A_597, %parallel_loop3A_605 : vector<16xf32>, vector<16xf32>, vector<16xf32>, vector<16xf32>
      } {sc.loop_unroll_factor = 2 : i64, sc.parallel_access}
      %gt3A = arith.constant 0.000000e+00 : f32
      %gt3A_18 = vector.broadcast %gt3A : f32 to vector<16xf32>
      %gt3A_19 = arith.cmpf ogt, %parallel_loop3A_17#0, %gt3A_18 : vector<16xf32>
      %exp3A = math.exp %parallel_loop3A_17#0 : vector<16xf32>
      %sub3A = arith.constant 1.000000e+00 : f32
      %sub3A_20 = vector.broadcast %sub3A : f32 to vector<16xf32>
      %sub3A_21 = arith.subf %exp3A, %sub3A_20 : vector<16xf32>
      %select_n3A = arith.select %gt3A_19, %parallel_loop3A_17#0, %sub3A_21 : vector<16xi1>, vector<16xf32>
      %gt3A_22 = arith.constant 0.000000e+00 : f32
      %gt3A_23 = vector.broadcast %gt3A_22 : f32 to vector<16xf32>
      %gt3A_24 = arith.cmpf ogt, %parallel_loop3A_17#2, %gt3A_23 : vector<16xf32>
      %exp3A_25 = math.exp %parallel_loop3A_17#2 : vector<16xf32>
      %sub3A_26 = arith.constant 1.000000e+00 : f32
      %sub3A_27 = vector.broadcast %sub3A_26 : f32 to vector<16xf32>
      %sub3A_28 = arith.subf %exp3A_25, %sub3A_27 : vector<16xf32>
      %select_n3A_29 = arith.select %gt3A_24, %parallel_loop3A_17#2, %sub3A_28 : vector<16xi1>, vector<16xf32>
      %mul3A_30 = arith.constant 2 : i32
      %mul3A_31 = arith.muli %scan3A_10, %mul3A_30 : i32
      %add3A_32 = arith.constant 0 : i32
      %add3A_33 = arith.addi %mul3A_31, %add3A_32 : i32
      %mul3A_34 = arith.constant 32 : i32
      %mul3A_35 = arith.muli %add3A_33, %mul3A_34 : i32
      %swap3A = arith.index_cast %mul3A_35 : i32 to index
      %swap3A_36 = tpu.vector_load %arg7[%swap3A] {strides = array<i32>} : memref<768xf32, #tpu.memory_space<vmem>>, vector<16xf32>,
      %swap3A_37 = vector.shape_cast %swap3A_36 : vector<16xf32> to vector<16xf32>
      %swap3A_38 = vector.shape_cast %select_n3A : vector<16xf32> to vector<16xf32>
      tpu.vector_store %arg7[%swap3A], %swap3A_38 {strides = array<i32>} : memref<768xf32, #tpu.memory_space<vmem>>, vector<16xf32>,
      %add3A_39 = arith.constant 16 : i32
      %add3A_40 = arith.addi %mul3A_35, %add3A_39 : i32
      %swap3A_41 = arith.index_cast %add3A_40 : i32 to index
      %swap3A_42 = tpu.vector_load %arg7[%swap3A_41] {strides = array<i32>} : memref<768xf32, #tpu.memory_space<vmem>>, vector<16xf32>,
      %swap3A_43 = vector.shape_cast %swap3A_42 : vector<16xf32> to vector<16xf32>
      %swap3A_44 = vector.shape_cast %select_n3A_29 : vector<16xf32> to vector<16xf32>
      tpu.vector_store %arg7[%swap3A_41], %swap3A_44 {strides = array<i32>} : memref<768xf32, #tpu.memory_space<vmem>>, vector<16xf32>,
      %gt3A_45 = arith.constant 0.000000e+00 : f32
      %gt3A_46 = vector.broadcast %gt3A_45 : f32 to vector<16xf32>
      %gt3A_47 = arith.cmpf ogt, %parallel_loop3A_17#1, %gt3A_46 : vector<16xf32>
      %exp3A_48 = math.exp %parallel_loop3A_17#1 : vector<16xf32>
      %sub3A_49 = arith.constant 1.000000e+00 : f32
      %sub3A_50 = vector.broadcast %sub3A_49 : f32 to vector<16xf32>
      %sub3A_51 = arith.subf %exp3A_48, %sub3A_50 : vector<16xf32>
      %select_n3A_52 = arith.select %gt3A_47, %parallel_loop3A_17#1, %sub3A_51 : vector<16xi1>, vector<16xf32>
      %gt3A_53 = arith.constant 0.000000e+00 : f32
      %gt3A_54 = vector.broadcast %gt3A_53 : f32 to vector<16xf32>
      %gt3A_55 = arith.cmpf ogt, %parallel_loop3A_17#3, %gt3A_54 : vector<16xf32>
      %exp3A_56 = math.exp %parallel_loop3A_17#3 : vector<16xf32>
      %sub3A_57 = arith.constant 1.000000e+00 : f32
      %sub3A_58 = vector.broadcast %sub3A_57 : f32 to vector<16xf32>
      %sub3A_59 = arith.subf %exp3A_56, %sub3A_58 : vector<16xf32>
      %select_n3A_60 = arith.select %gt3A_55, %parallel_loop3A_17#3, %sub3A_59 : vector<16xi1>, vector<16xf32>
      %mul3A_61 = arith.constant 2 : i32
      %mul3A_62 = arith.muli %scan3A_10, %mul3A_61 : i32
      %add3A_63 = arith.constant 1 : i32
      %add3A_64 = arith.addi %mul3A_62, %add3A_63 : i32
      %mul3A_65 = arith.constant 32 : i32
      %mul3A_66 = arith.muli %add3A_64, %mul3A_65 : i32
      %swap3A_67 = arith.index_cast %mul3A_66 : i32 to index
      %swap3A_68 = tpu.vector_load %arg7[%swap3A_67] {strides = array<i32>} : memref<768xf32, #tpu.memory_space<vmem>>, vector<16xf32>,
      %swap3A_69 = vector.shape_cast %swap3A_68 : vector<16xf32> to vector<16xf32>
      %swap3A_70 = vector.shape_cast %select_n3A_52 : vector<16xf32> to vector<16xf32>
      tpu.vector_store %arg7[%swap3A_67], %swap3A_70 {strides = array<i32>} : memref<768xf32, #tpu.memory_space<vmem>>, vector<16xf32>,
      %add3A_71 = arith.constant 16 : i32
      %add3A_72 = arith.addi %mul3A_66, %add3A_71 : i32
      %swap3A_73 = arith.index_cast %add3A_72 : i32 to index
      %swap3A_74 = tpu.vector_load %arg7[%swap3A_73] {strides = array<i32>} : memref<768xf32, #tpu.memory_space<vmem>>, vector<16xf32>,
      %swap3A_75 = vector.shape_cast %swap3A_74 : vector<16xf32> to vector<16xf32>
      %swap3A_76 = vector.shape_cast %select_n3A_60 : vector<16xf32> to vector<16xf32>
      tpu.vector_store %arg7[%swap3A_73], %swap3A_76 {strides = array<i32>} : memref<768xf32, #tpu.memory_space<vmem>>, vector<16xf32>,
    }
    %scan3A_7 = arith.constant 12 : i32
    %mul3A_8 = arith.constant 32 : i32
    %mul3A_9 = arith.muli %mul3A_2, %mul3A_8 : i32
    "tpu.region"() ({
      %run_scoped3A = tpu.sem_alloc : memref<!tpu.dma_semaphore, #tpu.memory_space<semaphore_mem>>
      %dma_start3A = tpu.memref_slice %arg4[%mul3A_9] : memref<24576xf32, #tpu.memory_space<hbm>> -> memref<768xf32, #tpu.memory_space<hbm>>
      %dma_start3A_10 = tpu.memref_slice %arg4[%mul3A_9] : memref<24576xf32, #tpu.memory_space<hbm>> -> memref<768xf32, #tpu.memory_space<hbm>>
      tpu.enqueue_dma source(%arg7 : memref<768xf32, #tpu.memory_space<vmem>>) target(%dma_start3A_10 : memref<768xf32, #tpu.memory_space<hbm>>) target_semaphore(%run_scoped3A : memref<!tpu.dma_semaphore, #tpu.memory_space<semaphore_mem>>)
      %dma_wait3A = tpu.memref_slice %arg4[%mul3A_9] : memref<24576xf32, #tpu.memory_space<hbm>> -> memref<768xf32, #tpu.memory_space<hbm>>
      %dma_wait3A_11 = tpu.memref_slice %arg4[%mul3A_9] : memref<24576xf32, #tpu.memory_space<hbm>> -> memref<768xf32, #tpu.memory_space<hbm>>
      tpu.wait_dma2 semaphore(%run_scoped3A : memref<!tpu.dma_semaphore, #tpu.memory_space<semaphore_mem>>) src(%arg7 : memref<768xf32, #tpu.memory_space<vmem>>) dst(%dma_wait3A_11 : memref<768xf32, #tpu.memory_space<hbm>>)
      tpu.yield
    }) : () -> ()
    return
  }
}

module attributes {stable_mosaic.version = 14 : i64} {
  func.func @_prep_body(%arg0: memref<2048x128xf32, #tpu.memory_space<vmem>>, %arg1: memref<128x32xf32, #tpu.memory_space<vmem>>, %arg2: memref<1x64xf32, #tpu.memory_space<vmem>>, %arg3: memref<2048x32xf32, #tpu.memory_space<vmem>>, %arg4: memref<1x2048xf32, #tpu.memory_space<vmem>>, %arg5: memref<1x2048xf32, #tpu.memory_space<vmem>>) attributes {dimension_semantics = [], scalar_prefetch = 0 : i64, scratch_operands = 0 : i64, tpu.core_type = #tpu.core_type<tc>} {
    %get3A = arith.constant 0 : index
    %get3A_0 = arith.constant 0 : index
    %get3A_1 = vector.load %arg0[%get3A, %get3A_0] : memref<2048x128xf32, #tpu.memory_space<vmem>>, vector<2048x128xf32>
    %get3A_2 = arith.constant 0 : index
    %get3A_3 = arith.constant 0 : index
    %get3A_4 = vector.load %arg1[%get3A_2, %get3A_3] : memref<128x32xf32, #tpu.memory_space<vmem>>, vector<128x32xf32>
    %dot_general3A = arith.constant dense<0.000000e+00> : vector<2048x32xf32>
    %dot_general3A_5 = tpu.matmul %get3A_1, %get3A_4, %dot_general3A {dimension_numbers = #tpu.dot_dimension_numbers<[1], [0], [0], [1], [0, 0, 1, 1], [], []>, transpose_lhs_hint = false} : vector<2048x128xf32>, vector<128x32xf32>, vector<2048x32xf32> -> vector<2048x32xf32>
    %swap3A = arith.constant 0 : index
    %swap3A_6 = arith.constant 0 : index
    %swap3A_7 = vector.load %arg3[%swap3A, %swap3A_6] : memref<2048x32xf32, #tpu.memory_space<vmem>>, vector<2048x32xf32>
    tpu.vector_store %arg3[%swap3A, %swap3A_6], %dot_general3A_5 {strides = array<i32>} : memref<2048x32xf32, #tpu.memory_space<vmem>>, vector<2048x32xf32>,
    %get3A_8 = arith.constant 0 : index
    %get3A_9 = arith.constant 0 : index
    %get3A_10 = vector.load %arg2[%get3A_8, %get3A_9] : memref<1x64xf32, #tpu.memory_space<vmem>>, vector<1x32xf32>
    %get3A_11 = vector.shape_cast %get3A_10 : vector<1x32xf32> to vector<32xf32>
    %get3A_12 = arith.constant 0 : index
    %get3A_13 = arith.constant 32 : index
    %get3A_14 = vector.load %arg2[%get3A_12, %get3A_13] : memref<1x64xf32, #tpu.memory_space<vmem>>, vector<1x32xf32>
    %get3A_15 = vector.shape_cast %get3A_14 : vector<1x32xf32> to vector<32xf32>
    %dot_general3A_16 = arith.constant dense<0.000000e+00> : vector<2048xf32>
    %dot_general3A_17 = tpu.matmul %dot_general3A_5, %get3A_11, %dot_general3A_16 {dimension_numbers = #tpu.dot_dimension_numbers<[1], [0], [0], [], [0, 0], [], []>, transpose_lhs_hint = false} : vector<2048x32xf32>, vector<32xf32>, vector<2048xf32> -> vector<2048xf32>
    %broadcast_in_dim3A = vector.shape_cast %dot_general3A_17 : vector<2048xf32> to vector<1x2048xf32>
    %swap3A_18 = arith.constant 0 : index
    %swap3A_19 = arith.constant 0 : index
    %swap3A_20 = vector.load %arg4[%swap3A_18, %swap3A_19] : memref<1x2048xf32, #tpu.memory_space<vmem>>, vector<1x2048xf32>
    tpu.vector_store %arg4[%swap3A_18, %swap3A_19], %broadcast_in_dim3A {strides = array<i32>} : memref<1x2048xf32, #tpu.memory_space<vmem>>, vector<1x2048xf32>,
    %dot_general3A_21 = arith.constant dense<0.000000e+00> : vector<2048xf32>
    %dot_general3A_22 = tpu.matmul %dot_general3A_5, %get3A_15, %dot_general3A_21 {dimension_numbers = #tpu.dot_dimension_numbers<[1], [0], [0], [], [0, 0], [], []>, transpose_lhs_hint = false} : vector<2048x32xf32>, vector<32xf32>, vector<2048xf32> -> vector<2048xf32>
    %broadcast_in_dim3A_23 = vector.shape_cast %dot_general3A_22 : vector<2048xf32> to vector<1x2048xf32>
    %swap3A_24 = arith.constant 0 : index
    %swap3A_25 = arith.constant 0 : index
    %swap3A_26 = vector.load %arg5[%swap3A_24, %swap3A_25] : memref<1x2048xf32, #tpu.memory_space<vmem>>, vector<1x2048xf32>
    tpu.vector_store %arg5[%swap3A_24, %swap3A_25], %broadcast_in_dim3A_23 {strides = array<i32>} : memref<1x2048xf32, #tpu.memory_space<vmem>>, vector<1x2048xf32>,
    return
  }
}

module attributes {stable_mosaic.version = 14 : i64} {
  func.func @_tc_wgen_body(%arg0: i32, %arg1: memref<128x2048xi32, #tpu.memory_space<vmem>>, %arg2: memref<1x2048xf32, #tpu.memory_space<vmem>>, %arg3: memref<1x2048xf32, #tpu.memory_space<vmem>>, %arg4: memref<128x2048xf32, #tpu.memory_space<vmem>>) attributes {dimension_semantics = [#tpu.dimension_semantics<arbitrary>], iteration_bounds = array<i64: 6>, scalar_prefetch = 0 : i64, scratch_operands = 0 : i64, tpu.core_type = #tpu.core_type<tc>, window_params = [{transform_indices = @transform_0, window_bounds = array<i64: 128, 2048>}, {pipeline_mode = #tpu.pipeline_mode<synchronous>, transform_indices = @transform_1, window_bounds = array<i64: 1, 2048>}, {pipeline_mode = #tpu.pipeline_mode<synchronous>, transform_indices = @transform_2, window_bounds = array<i64: 1, 2048>}, {transform_indices = @transform_3, window_bounds = array<i64: 128, 2048>}]} {
    %mul3A = arith.constant 128 : i32
    %mul3A_0 = arith.muli %arg0, %mul3A : i32
    %get3A = arith.constant 0 : index
    %get3A_1 = arith.index_cast %mul3A_0 : i32 to index
    %get3A_2 = vector.load %arg2[%get3A, %get3A_1] : memref<1x2048xf32, #tpu.memory_space<vmem>>, vector<1x128xf32>
    %get3A_3 = vector.shape_cast %get3A_2 : vector<1x128xf32> to vector<128xf32>
    %broadcast_in_dim3A = vector.shape_cast %get3A_3 : vector<128xf32> to vector<128x1xf32>
    %get3A_4 = arith.constant 0 : index
    %get3A_5 = arith.constant 0 : index
    %get3A_6 = vector.load %arg3[%get3A_4, %get3A_5] : memref<1x2048xf32, #tpu.memory_space<vmem>>, vector<1x2048xf32>
    %get3A_7 = vector.shape_cast %get3A_6 : vector<1x2048xf32> to vector<2048xf32>
    %broadcast_in_dim3A_8 = vector.shape_cast %get3A_7 : vector<2048xf32> to vector<1x2048xf32>
    %add3A = vector.broadcast %broadcast_in_dim3A : vector<128x1xf32> to vector<128x2048xf32>
    %add3A_9 = vector.broadcast %broadcast_in_dim3A_8 : vector<1x2048xf32> to vector<128x2048xf32>
    %add3A_10 = arith.addf %add3A, %add3A_9 : vector<128x2048xf32>
    %mul3A_11 = arith.constant 2.000000e-01 : f32
    %mul3A_12 = vector.broadcast %mul3A_11 : f32 to vector<128x2048xf32>
    %mul3A_13 = arith.mulf %mul3A_12, %add3A_10 : vector<128x2048xf32>
    %max3A = arith.maximumf %add3A_10, %mul3A_13 : vector<128x2048xf32>
    %jit3A = arith.constant -5.000000e+01 : f32
    %jit3A_14 = arith.constant 5.000000e+01 : f32
    %max3A_15 = vector.broadcast %jit3A : f32 to vector<128x2048xf32>
    %max3A_16 = arith.maximumf %max3A_15, %max3A : vector<128x2048xf32>
    %min3A = vector.broadcast %jit3A_14 : f32 to vector<128x2048xf32>
    %min3A_17 = arith.minimumf %min3A, %max3A_16 : vector<128x2048xf32>
    %neg3A = arith.constant 0.000000e+00 : f32
    %neg3A_18 = vector.broadcast %neg3A : f32 to vector<128x2048xf32>
    %neg3A_19 = arith.subf %neg3A_18, %min3A_17 : vector<128x2048xf32>
    %exp3A = math.exp %neg3A_19 : vector<128x2048xf32>
    %get3A_20 = arith.constant 0 : index
    %get3A_21 = arith.constant 0 : index
    %get3A_22 = vector.load %arg1[%get3A_20, %get3A_21] : memref<128x2048xi32, #tpu.memory_space<vmem>>, vector<128x2048xi32>
    %ne3A = arith.constant 0 : i32
    %ne3A_23 = vector.broadcast %ne3A : i32 to vector<128x2048xi32>
    %ne3A_24 = arith.cmpi ne, %get3A_22, %ne3A_23 : vector<128x2048xi32>
    %jit3A_25 = arith.constant 0.000000e+00 : f32
    %broadcast_in_dim3A_26 = vector.broadcast %jit3A_25 : f32 to vector<128x2048xf32>
    %select_n3A = arith.select %ne3A_24, %exp3A, %broadcast_in_dim3A_26 : vector<128x2048xi1>, vector<128x2048xf32>
    %reduce_sum3A = arith.constant dense<0.000000e+00> : vector<128xf32>
    %reduce_sum3A_27 = vector.multi_reduction <add>, %select_n3A, %reduce_sum3A [1] : vector<128x2048xf32> to vector<128xf32>
    %div3A = arith.constant 1.000000e+00 : f32
    %div3A_28 = vector.broadcast %div3A : f32 to vector<128xf32>
    %div3A_29 = arith.divf %div3A_28, %reduce_sum3A_27 : vector<128xf32>
    %broadcast_in_dim3A_30 = vector.shape_cast %div3A_29 : vector<128xf32> to vector<128x1xf32>
    %mul3A_31 = vector.broadcast %broadcast_in_dim3A_30 : vector<128x1xf32> to vector<128x2048xf32>
    %mul3A_32 = arith.mulf %select_n3A, %mul3A_31 : vector<128x2048xf32>
    %swap3A = arith.constant 0 : index
    %swap3A_33 = arith.constant 0 : index
    %swap3A_34 = vector.load %arg4[%swap3A, %swap3A_33] : memref<128x2048xf32, #tpu.memory_space<vmem>>, vector<128x2048xf32>
    tpu.vector_store %arg4[%swap3A, %swap3A_33], %mul3A_32 {strides = array<i32>} : memref<128x2048xf32, #tpu.memory_space<vmem>>, vector<128x2048xf32>,
    return
  }
  func.func @transform_0(%arg0: i32) -> (i32, i32) {
    %c0_i32 = arith.constant 0 : i32
    %c0_i32_0 = arith.constant 0 : i32
    return %arg0, %c0_i32 : i32, i32
  }
  func.func @transform_1(%arg0: i32) -> (i32, i32) {
    %c0_i32 = arith.constant 0 : i32
    %c0_i32_0 = arith.constant 0 : i32
    %c0_i32_1 = arith.constant 0 : i32
    return %c0_i32, %c0_i32_0 : i32, i32
  }
  func.func @transform_2(%arg0: i32) -> (i32, i32) {
    %c0_i32 = arith.constant 0 : i32
    %c0_i32_0 = arith.constant 0 : i32
    %c0_i32_1 = arith.constant 0 : i32
    return %c0_i32, %c0_i32_0 : i32, i32
  }
  func.func @transform_3(%arg0: i32) -> (i32, i32) {
    %c0_i32 = arith.constant 0 : i32
    %c0_i32_0 = arith.constant 0 : i32
    return %arg0, %c0_i32 : i32, i32
  }
}

module attributes {stable_mosaic.version = 14 : i64} {
  func.func @_tc_attn_body(%arg0: i32, %arg1: memref<128x2048xi32, #tpu.memory_space<vmem>>, %arg2: memref<2048x32xf32, #tpu.memory_space<vmem>>, %arg3: memref<1x2048xf32, #tpu.memory_space<vmem>>, %arg4: memref<1x2048xf32, #tpu.memory_space<vmem>>, %arg5: memref<128x32xf32, #tpu.memory_space<vmem>>) attributes {dimension_semantics = [#tpu.dimension_semantics<arbitrary>], iteration_bounds = array<i64: 10>, scalar_prefetch = 0 : i64, scratch_operands = 0 : i64, tpu.core_type = #tpu.core_type<tc>, window_params = [{transform_indices = @transform_0, window_bounds = array<i64: 128, 2048>}, {pipeline_mode = #tpu.pipeline_mode<synchronous>, transform_indices = @transform_1, window_bounds = array<i64: 2048, 32>}, {pipeline_mode = #tpu.pipeline_mode<synchronous>, transform_indices = @transform_2, window_bounds = array<i64: 1, 2048>}, {pipeline_mode = #tpu.pipeline_mode<synchronous>, transform_indices = @transform_3, window_bounds = array<i64: 1, 2048>}, {transform_indices = @transform_4, window_bounds = array<i64: 128, 32>}]} {
    %get3A = arith.constant 0 : index
    %get3A_0 = arith.constant 0 : index
    %get3A_1 = vector.load %arg2[%get3A, %get3A_0] : memref<2048x32xf32, #tpu.memory_space<vmem>>, vector<2048x32xf32>
    %mul3A = arith.constant 128 : i32
    %mul3A_2 = arith.muli %arg0, %mul3A : i32
    %add3A = arith.constant 768 : i32
    %add3A_3 = arith.addi %add3A, %mul3A_2 : i32
    %get3A_4 = arith.constant 0 : index
    %get3A_5 = arith.index_cast %add3A_3 : i32 to index
    %get3A_6 = vector.load %arg3[%get3A_4, %get3A_5] : memref<1x2048xf32, #tpu.memory_space<vmem>>, vector<1x128xf32>
    %get3A_7 = vector.shape_cast %get3A_6 : vector<1x128xf32> to vector<128xf32>
    %broadcast_in_dim3A = vector.shape_cast %get3A_7 : vector<128xf32> to vector<128x1xf32>
    %get3A_8 = arith.constant 0 : index
    %get3A_9 = arith.constant 0 : index
    %get3A_10 = vector.load %arg4[%get3A_8, %get3A_9] : memref<1x2048xf32, #tpu.memory_space<vmem>>, vector<1x2048xf32>
    %get3A_11 = vector.shape_cast %get3A_10 : vector<1x2048xf32> to vector<2048xf32>
    %broadcast_in_dim3A_12 = vector.shape_cast %get3A_11 : vector<2048xf32> to vector<1x2048xf32>
    %add3A_13 = vector.broadcast %broadcast_in_dim3A : vector<128x1xf32> to vector<128x2048xf32>
    %add3A_14 = vector.broadcast %broadcast_in_dim3A_12 : vector<1x2048xf32> to vector<128x2048xf32>
    %add3A_15 = arith.addf %add3A_13, %add3A_14 : vector<128x2048xf32>
    %mul3A_16 = arith.constant 2.000000e-01 : f32
    %mul3A_17 = vector.broadcast %mul3A_16 : f32 to vector<128x2048xf32>
    %mul3A_18 = arith.mulf %mul3A_17, %add3A_15 : vector<128x2048xf32>
    %max3A = arith.maximumf %add3A_15, %mul3A_18 : vector<128x2048xf32>
    %jit3A = arith.constant -5.000000e+01 : f32
    %jit3A_19 = arith.constant 5.000000e+01 : f32
    %max3A_20 = vector.broadcast %jit3A : f32 to vector<128x2048xf32>
    %max3A_21 = arith.maximumf %max3A_20, %max3A : vector<128x2048xf32>
    %min3A = vector.broadcast %jit3A_19 : f32 to vector<128x2048xf32>
    %min3A_22 = arith.minimumf %min3A, %max3A_21 : vector<128x2048xf32>
    %neg3A = arith.constant 0.000000e+00 : f32
    %neg3A_23 = vector.broadcast %neg3A : f32 to vector<128x2048xf32>
    %neg3A_24 = arith.subf %neg3A_23, %min3A_22 : vector<128x2048xf32>
    %exp3A = math.exp %neg3A_24 : vector<128x2048xf32>
    %get3A_25 = arith.constant 0 : index
    %get3A_26 = arith.constant 0 : index
    %get3A_27 = vector.load %arg1[%get3A_25, %get3A_26] : memref<128x2048xi32, #tpu.memory_space<vmem>>, vector<128x2048xi32>
    %ne3A = arith.constant 0 : i32
    %ne3A_28 = vector.broadcast %ne3A : i32 to vector<128x2048xi32>
    %ne3A_29 = arith.cmpi ne, %get3A_27, %ne3A_28 : vector<128x2048xi32>
    %jit3A_30 = arith.constant 0.000000e+00 : f32
    %broadcast_in_dim3A_31 = vector.broadcast %jit3A_30 : f32 to vector<128x2048xf32>
    %select_n3A = arith.select %ne3A_29, %exp3A, %broadcast_in_dim3A_31 : vector<128x2048xi1>, vector<128x2048xf32>
    %dot_general3A = arith.constant dense<0.000000e+00> : vector<128x32xf32>
    %dot_general3A_32 = tpu.matmul %select_n3A, %get3A_1, %dot_general3A {dimension_numbers = #tpu.dot_dimension_numbers<[1], [0], [0], [1], [0, 0, 1, 1], [], []>, transpose_lhs_hint = false} : vector<128x2048xf32>, vector<2048x32xf32>, vector<128x32xf32> -> vector<128x32xf32>
    %reduce_sum3A = arith.constant dense<0.000000e+00> : vector<128xf32>
    %reduce_sum3A_33 = vector.multi_reduction <add>, %select_n3A, %reduce_sum3A [1] : vector<128x2048xf32> to vector<128xf32>
    %broadcast_in_dim3A_34 = vector.shape_cast %reduce_sum3A_33 : vector<128xf32> to vector<128x1xf32>
    %div3A = vector.broadcast %broadcast_in_dim3A_34 : vector<128x1xf32> to vector<128x32xf32>
    %div3A_35 = arith.divf %dot_general3A_32, %div3A : vector<128x32xf32>
    %gt3A = arith.constant 0.000000e+00 : f32
    %gt3A_36 = vector.broadcast %gt3A : f32 to vector<128x32xf32>
    %gt3A_37 = arith.cmpf ogt, %div3A_35, %gt3A_36 : vector<128x32xf32>
    %exp3A_38 = math.exp %div3A_35 : vector<128x32xf32>
    %sub3A = arith.constant 1.000000e+00 : f32
    %sub3A_39 = vector.broadcast %sub3A : f32 to vector<128x32xf32>
    %sub3A_40 = arith.subf %exp3A_38, %sub3A_39 : vector<128x32xf32>
    %select_n3A_41 = arith.select %gt3A_37, %div3A_35, %sub3A_40 : vector<128x32xi1>, vector<128x32xf32>
    %swap3A = arith.constant 0 : index
    %swap3A_42 = arith.constant 0 : index
    %swap3A_43 = vector.load %arg5[%swap3A, %swap3A_42] : memref<128x32xf32, #tpu.memory_space<vmem>>, vector<128x32xf32>
    tpu.vector_store %arg5[%swap3A, %swap3A_42], %select_n3A_41 {strides = array<i32>} : memref<128x32xf32, #tpu.memory_space<vmem>>, vector<128x32xf32>,
    return
  }
  func.func @transform_0(%arg0: i32) -> (i32, i32) {
    %add3A = arith.constant 6 : i32
    %add3A_0 = arith.addi %arg0, %add3A : i32
    %c0_i32 = arith.constant 0 : i32
    %c0_i32_1 = arith.constant 0 : i32
    return %add3A_0, %c0_i32 : i32, i32
  }
  func.func @transform_1(%arg0: i32) -> (i32, i32) {
    %c0_i32 = arith.constant 0 : i32
    %c0_i32_0 = arith.constant 0 : i32
    %c0_i32_1 = arith.constant 0 : i32
    return %c0_i32, %c0_i32_0 : i32, i32
  }
  func.func @transform_2(%arg0: i32) -> (i32, i32) {
    %c0_i32 = arith.constant 0 : i32
    %c0_i32_0 = arith.constant 0 : i32
    %c0_i32_1 = arith.constant 0 : i32
    return %c0_i32, %c0_i32_0 : i32, i32
  }
  func.func @transform_3(%arg0: i32) -> (i32, i32) {
    %c0_i32 = arith.constant 0 : i32
    %c0_i32_0 = arith.constant 0 : i32
    %c0_i32_1 = arith.constant 0 : i32
    return %c0_i32, %c0_i32_0 : i32, i32
  }
  func.func @transform_4(%arg0: i32) -> (i32, i32) {
    %c0_i32 = arith.constant 0 : i32
    %c0_i32_0 = arith.constant 0 : i32
    return %arg0, %c0_i32 : i32, i32
  }
}

</mosaic_0001>

<sc_bundles>
// kernel: kernel.6.cloned.1.call-start
scs
__scs_entry_jumppad:
0x0: {  	(pc) =	sbr.rel $0x88, $3  }
0x1: {  	(tag) =	ssettag $0x0;
	lr =	simm.s32 $0x1  }
0x2: {  	[smem:$0x3F9D] =	sst lr;
	_ =	strace $0xD0000000  }
0x3: {  	_ = 	snop  }
0x4: {  	_ = 	snop  }
0x5: {  	_ = 	snop  }
0x6: {  	_ = 	snop  }
0x7: {  	_ = 	snop  }
__scs_overlays_trampoline_lowered:
0x8: {  	[smem:$0x3FAC] =	sst s0  }
0x9: {  	[smem:$0x3FAD] =	sst s1  }
0xa: {  	[smem:$0x3FAE] =	sst s2  }
0xb: {  	[smem:$0x3FAF] =	sst s3  }
0xc: {  	[smem:$0x3FB0] =	sst s4  }
0xd: {  	[smem:$0x3FB1] =	sst s5  }
0xe: {  	[smem:$0x3FB2] =	sst s6  }
0xf: {  	[smem:$0x3FB3] =	sst s7  }
0x10: {  	[smem:$0x3FB4] =	sst s8  }
0x11: {  	[smem:$0x3FB5] =	sst s9;
	s0 =	simm.s32 @!p0 $0x0  }
0x12: {  	s1 =	sld [smem:$0x3F9B];
	s0 =	simm.s32 @p0 $0x1  }
0x13: {  	[smem:$0x3FB6] =	sst s0;
	s0 =	simm.s32 @!p1 $0x0  }
0x14: {  	s2 =	sld [smem:$0x3F9A];
	s0 =	simm.s32 @p1 $0x1  }
0x15: {  	[smem:$0x3FB7] =	sst s0;
	s0 =	simm.s32 @!p2 $0x0  }
0x16: {  	s3 =	sld [smem:$0x3FDB];
	s0 =	simm.s32 @p2 $0x1  }
0x17: {  	s4 =	simm.s32 $0x1BF5;
	[smem:$0x3FB9] =	sst s0  }
0x18: {  	s0 =	sld [smem:$0x3F9C];
	_ =	swait.ge [sflag:s4], $0x0  }
0x19: {  	s7 =	sld [smem:$0x3F9D]  }
0x1a: {  	s8 =	sadd.s32 $0xFFFFE003, lr  }
0x1b: {  	s9 =	sadd.s32 $0xFFFFFEF7, lr;
	s5 =	simm.s32 $0xFFFFFFFF;
	p2 =	slt.u32 s8, $0xFFFFF086  }
0x1c: {  	p1 =	slt.u32 s9, $0xF7A;
	s5 =	simm.s32 @!p2 $0x0  }
0x1d: {  	s5 =	simm.s32 @p1 $0x1;
	p0 =	seq.s32 s7, s2  }
0x1e: {  	s7 =	smul.u32 @!p0 $0xF7A, s2;
	p2 =	seq.s32 @!p0 s5, $0x0  }
0x1f: {  	s9 =	smul.u32 $0xF7A, s1;
	s8 =	simm.s32 @!p0 $0x1BF5;
	p2 =	por !p2, p0  }
0x20: {  	[sflag:s8] =	ssyncset.s32 @!p0 $0xFFFFF086;
	s6 =	sadd.s32 @!p0 s3, s7;
	s7 =	simm.s32 @!p0 $0x108  }
0x21: {  	s3 =	sadd.s32 s3, s9;
	s6 =	sadd.s32 @!p0 $0x88, s6;
	s7 =	simm.s32 @p2 $0x1082  }
0x22: {  	[simem:s7], [sflag:s8] =	dma.local @!p0 [hbm:s6], $0xF7A  }
0x23: {  	s9 =	sor.u32 $0xD0000000, s2;
	s6 =	simm.s32 $0x108;
	_ =	swait.ge @!p0 [sflag:s8], $0x0  }
0x24: {  	s3 =	sadd.s32 $0x88, s3;
	s6 =	simm.s32 @!p1 $0x1082;
	[sflag:s4] =	ssyncset.s32 $0xFFFFF086  }
0x25: {  	[simem:s6], [sflag:s4] =	dma.local [hbm:s3], $0xF7A  }
0x26: {  	[smem:$0x3F9D] =	sst s1;
	(tag) =	ssettag s2;
	_ =	strace s9  }
0x27: {  	s1 =	sld [smem:$0x3FAD]  }
0x28: {  	s2 =	sld [smem:$0x3FAE]  }
0x29: {  	s4 =	sld [smem:$0x3FB0]  }
0x2a: {  	p0 =	seq.s32 s5, $0x0;
	s5 =	sld [smem:$0x3FB1]  }
0x2b: {  	s6 =	sld [smem:$0x3FB2]  }
0x2c: {  	s7 =	sld [smem:$0x3FB3]  }
0x2d: {  	s3 =	simm.s32 $0x108;
	s8 =	sld [smem:$0x3FB4]  }
0x2e: {  	s3 =	simm.s32 @!p0 $0x1082;
	s9 =	sld [smem:$0x3FB5]  }
0x2f: {  	lr =	sadd.s32 s0, s3;
	s0 =	sld [smem:$0x3FAC]  }
0x30: {  	s3 =	sld [smem:$0x3FAF]  }
0x31: {  	[smem:$0x3FB8] =	sst s10  }
0x32: {  	s10 =	sld [smem:$0x3FB6];
	_ =	sdelay $0x3  }
0x33: {  	p0 =	seq.s32 s10, $0x1;
	s10 =	sld [smem:$0x3FB8];
	_ =	sdelay $0x3  }
0x34: {  	[smem:$0x3FB8] =	sst s10  }
0x35: {  	s10 =	sld [smem:$0x3FB7];
	_ =	sdelay $0x3  }
0x36: {  	p1 =	seq.s32 s10, $0x1;
	s10 =	sld [smem:$0x3FB8];
	_ =	sdelay $0x3  }
0x37: {  	[smem:$0x3FB8] =	sst s10  }
0x38: {  	s10 =	sld [smem:$0x3FB9]  }
0x39: {  	_ = 	snop;
	(pc) =	sbr.ind lr, $3  }
0x3a: {  	_ = 	snop  }
0x3b: {  	_ = 	snop  }
0x3c: {  	p2 =	seq.s32 s10, $0x1;
	s10 =	sld [smem:$0x3FB8]  }
0x3d: {  	_ =	shalt  }
0x3e: {  	_ =	shalt  }
0x3f: {  	_ =	shalt  }
0x40: {  	_ =	shalt  }
0x41: {  	_ =	shalt  }
0x42: {  	_ =	shalt  }
0x43: {  	_ =	shalt  }
0x44: {  	_ =	shalt  }
0x45: {  	_ =	shalt  }
0x46: {  	_ =	shalt  }
0x47: {  	_ =	shalt  }
0x48: {  	_ =	shalt  }
0x49: {  	_ =	shalt  }
0x4a: {  	_ =	shalt  }
0x4b: {  	_ =	shalt  }
0x4c: {  	_ =	shalt  }
0x4d: {  	_ =	shalt  }
0x4e: {  	_ =	shalt  }
0x4f: {  	_ =	shalt  }
0x50: {  	_ =	shalt  }
0x51: {  	_ =	shalt  }
0x52: {  	_ =	shalt  }
0x53: {  	_ =	shalt  }
0x54: {  	_ =	shalt  }
0x55: {  	_ =	shalt  }
0x56: {  	_ =	shalt  }
0x57: {  	_ =	shalt  }
0x58: {  	_ =	shalt  }
0x59: {  	_ =	shalt  }
0x5a: {  	_ =	shalt  }
0x5b: {  	_ =	shalt  }
0x5c: {  	_ =	shalt  }
0x5d: {  	_ =	shalt  }
0x5e: {  	_ =	shalt  }
0x5f: {  	_ =	shalt  }
0x60: {  	_ =	shalt  }
0x61: {  	_ =	shalt  }
0x62: {  	_ =	shalt  }
0x63: {  	_ =	shalt  }
0x64: {  	_ =	shalt  }
0x65: {  	_ =	shalt  }
0x66: {  	_ =	shalt  }
0x67: {  	_ =	shalt  }
0x68: {  	_ =	shalt  }
0x69: {  	_ =	shalt  }
0x6a: {  	_ =	shalt  }
0x6b: {  	_ =	shalt  }
0x6c: {  	_ =	shalt  }
0x6d: {  	_ =	shalt  }
0x6e: {  	_ =	shalt  }
0x6f: {  	_ =	shalt  }
0x70: {  	_ =	shalt  }
0x71: {  	_ =	shalt  }
0x72: {  	_ =	shalt  }
0x73: {  	_ =	shalt  }
0x74: {  	_ =	shalt  }
0x75: {  	_ =	shalt  }
0x76: {  	_ =	shalt  }
0x77: {  	_ =	shalt  }
0x78: {  	_ =	shalt  }
0x79: {  	_ =	shalt  }
0x7a: {  	_ =	shalt  }
0x7b: {  	_ =	shalt  }
0x7c: {  	_ =	shalt  }
0x7d: {  	_ =	shalt  }
0x7e: {  	_ =	shalt  }
0x7f: {  	_ =	shalt  }
0x80: {  	_ =	shalt  }
0x81: {  	_ =	shalt  }
0x82: {  	_ =	shalt  }
0x83: {  	_ =	shalt  }
0x84: {  	_ =	shalt  }
0x85: {  	_ =	shalt  }
0x86: {  	_ =	shalt  }
0x87: {  	_ =	shalt  }
.Lfunc_end0:
.L_simem_size_0:
called_computation_lowered:
.L_overlay_start_0:
0x88: {  	s2 =	sld [smem:$0x3FD9]  }
0x89: {  	s3 =	sld [smem:$0x3FFE];
	_ =	sdelay $0x1  }
0x8a: {  	s1 =	srdreg.scid  }
0x8b: {  	s0 =	sand.u32 $0x1, s1  }
0x8c: {  	s17 =	sshll.u32 s0, $0xA;
	s2 =	sadd.s32 s3, s2  }
0x8d: {  	s2 =	sadd.s32 s2, s17  }
0x8e: {  	[smem:$0x3FC4] =	sst s2  }
0x8f: {  	_ = 	snop  }
0x90: {  	s2 =	sld [smem:$0x3FD0];
	(tm) =	ssettm $0x1  }
0x91: {  	s18 =	sld [smem:$0x3FFB];
	_ =	sdelay $0x3  }
0x92: {  	_ =	strace s18  }
0x93: {  	s3 =	sld [smem:$0x3FFC];
	_ =	sdelay $0x3  }
0x94: {  	_ =	strace s3  }
0x95: {  	s3 =	sld [smem:$0x3FFD];
	_ =	sdelay $0x3  }
0x96: {  	_ =	strace s3  }
0x97: {  	_ =	strace $0x8FFFFFFF  }
0x98: {  	s19 =	sld [smem:$0x3FDB];
	_ =	sdelay $0x1  }
0x99: {  	s4 =	simm.s32 $_scs_section_size  }
0x9a: {  	s5 =	simm.s32 $_size__tile_overlayer_lowered;
	s6 =	simm.s32 $_tile_overlayer_lowered  }
0x9b: {  	s22 =	simm.s32 $0x1BFF;
	s21 =	sshll.u32 s6, $0x1;
	s3 =	sadd.s32 s4, s19  }
0x9c: {  	s7 =	simm.s32 $0x0;
	s20 =	sshll.u32 s5, $0x1;
	s5 =	sadd.s32 s21, s3  }
0x9d: {  	[timem:s7], [sflag:s22] =	dma.local [hbm:s5], s20  }
0x9e: {  	_ =	swait.ge [sflag:s22], s20  }
0x9f: {  	s4 =	ssub.s32 $0x0, s20;
	[sflag:s22] =	ssyncset.done $0x0  }
0xa0: {  	[sflag:s22] =	ssyncadd.s32 s4;
	_ =	sdelay $0x1  }
0xa1: {  	s23 =	simm.s32 $0x1B8B  }
0xa2: {  	_ =	swait.ge [sflag:s23], $0x1  }
0xa3: {  	[sflag:s23] =	ssyncset.done $0x0  }
0xa4: {  	s25 =	simm.s32 $0x1B8E;
	s24 =	sld [smem:$0x3FFE];
	[sflag:s23] =	ssyncadd.s32 $0xFFFFFFFF  }
0xa5: {  	s26 =	simm.s32 $execute0_lowered;
	[smem:$0x3FD2] =	sst s25  }
0xa6: {  	s5 =	sshll.u32 s26, $0x1;
	_ =	strace $0x80000046;
	[dreg:$0x1] =	wrdreg $0xFFFFFFFF  }
0xa7: {  	s28 =	simm.s32 $_size_execute0_lowered;
	s3 =	sadd.s32 s3, s5;
	[dreg:$0x0] =	wrdreg $0x0  }
0xa8: {  	s5 =	sshll.u32 s28, $0x1;
	[dreg:$0x2] =	wrdreg s3  }
0xa9: {  	[dreg:$0x3] =	wrdreg s5  }
0xaa: {  	[dreg:$0x4] =	wrdreg $0xC0  }
0xab: {  	_ =	task [dreg:s7], $0x5FFFF  }
0xac: {  	[dreg:$0x1] =	wrdreg $0xFFFFFFFF  }
0xad: {  	[dreg:$0x0] =	wrdreg $0x60  }
0xae: {  	[dreg:$0x2] =	wrdreg s24  }
0xaf: {  	[dreg:$0x3] =	wrdreg s2  }
0xb0: {  	[dreg:$0x4] =	wrdreg $0x9  }
0xb1: {  	_ =	task.clear_ibuf [dreg:s7], $0x5FFFF;
	_ =	strace $0x90000046  }
0xb2: {  	s29 =	simm.s32 $0x9;
	_ =	strace $0x80000048  }
0xb3: {  	_ =	swait.ge [sflag:s29], $0x1  }
0xb4: {  	[sflag:s29] =	ssyncadd.s32 $0xFFFFFFFF  }
0xb5: {  	_ =	strace $0x90000048  }
0xb6: {  	_ =	sfence  }
0xb7: {  	s30 =	sld [smem:$0x0];
	_ =	sdelay $0x2  }
0xb8: {  	s31 =	sshll.u32 s1, $0xD;
	s1 =	sshrl.u32 s1, $0x2  }
0xb9: {  	s3 =	sand.u32 $0x4000, s31;
	s1 =	sadd.s32 s1, s30  }
0xba: {  	s0 =	sor.u32 s3, s0;
	s1 =	sshll.u32 s1, $0x11  }
0xbb: {  	s0 =	sor.u32 s1, s0  }
0xbc: {  	s0 =	sadd.s32 $0x8F2B, s0  }
0xbd: {  	[sflag:s0] =	ssyncadd.remote.s32 $0x1  }
0xbe: {  	_ =	sfence.sel $0xFFFF  }
0xbf: {  	[dreg:$0x0] =	wrdreg $0xFFFFFFFF;
	(pc) =	sbr.abs _section_cstart, $3  }
0xc0: {  	[dreg:$0x1] =	wrdreg $0xFFFFFFFF  }
0xc1: {  	_ =	task.clear_ibuf [dreg:s7], $0x2FFFF;
	_ =	strace $0x9FFFFFFF  }
0xc2: {  	(tm) =	ssettm $0x7FFFFFFF  }
0xc3: {  	_ =	shalt  }
tec
execute0_lowered:
.L_overlay_start_1:
0x0: {  	(tag) =	ssettag $0x1  }
0x1: {  	s5 =	rddreg [dreg:$0x0];
	s1 =	srdreg.scid  }
0x2: {  	s0 =	stileid.u32;
	s2 =	rddreg [dreg:$0x1]  }
0x3: {  	s3 =	simm.s32 $0x0;
	s9 =	simm.s32 $0x400;
	s10 =	simm.s32 $0x10000  }
0x4: {  	s11 =	simm.s32 $0x11000;
	s4 =	sand.u32 $0x1, s1;
	s6 =	sshll.u32 s0, $0x1  }
0x5: {  	s12 =	simm.s32 $0x0;
	s1 =	rddreg [dreg:$0x2];
	s6 =	sor.u32 s4, s6  }
0x6: {  	[smem:$0x7FF] =	sst s3;
	s8 =	ssub.s32 $0x2, s4;
	s7 =	smul.u32 $0x60, s6  }
0x7: {  	_ =	strace $0x80000047;
	s4 =	sadd.s32 $0xE00, s5;
	s31 =	sshrl.u32 s8, $0x1  }
0x8: {  	s8 =	ssub.s32 s8, s31;
	s7 =	sadd.s32 s7, s5;
	s5 =	smul.u32 $0xC000, s6  }
0x9: {  	s6 =	sadd.s32 $0x30E00, s7;
	s7 =	smax.u32 s8, $0x1;
	s8 =	simm.s32 $0x1  }
.LBB2_1:
0xa: {  	[tilespmem:s3], [sflag:$0x1] =	stream.linear.gather [hbm4b:s2+s3], $0x10000, $0x38;
	[tilespmem:$0x11300] =	vst v63  }
0xb: {  	_ =	swait.ge [sflag:s8], $0x10000  }
0xc: {  	[sflag:s8] =	ssyncset.done $0x0  }
0xd: {  	s13 =	simm.s32 $0x0;
	[sflag:s8] =	ssyncadd.s32 $0xFFFF0000  }
.LBB2_2:
0xe: {  	s14 =	sshll.u32 s13, $0xC  }
0xf: {  	s15 =	sadd.s32 s5, s14;
	s14 =	sshll.u32 s13, $0x8  }
0x10: {  	s15 =	sand.u32 $0x3FC000, s15;
	s16 =	sand.u32 $0x300, s14  }
0x11: {  	s15 =	sor.u32 s16, s15  }
0x12: {  	s15 =	sshrl.u32 s15, $0x3  }
0x13: {  	s30 =	simm.s32 $0x100;
	s29 =	sadd.s32 s4, s15  }
0x14: {  	[tilespmem:s10], [sflag:$0x1] =	stream.strided.gather [hbm4b:s29+s30], $0x1000, s9, s30, $0x38;
	[tilespmem:$0x11300] =	vst v63  }
0x15: {  	s31 =	simm.s32 $0x0;
	_ =	swait.ge [sflag:s8], $0x1000  }
0x16: {  	s17 =	sand.u32 $0x70, s31;
	s16 =	sand.u32 $0xF00, s31;
	[sflag:s8] =	ssyncset.done $0x0  }
0x17: {  	s16 =	sor.u32 s17, s16;
	[sflag:s8] =	ssyncadd.s32 $0xFFFFF000  }
0x18: {  	v5 =	vld [tilespmem:s16+$0x10000]  }
0x19: {  	v1 =	vld [tilespmem:s16+$0x10080];
	_ =	sdelay $0x3  }
0x1a: {  	v9 =	vbroadcast v5, $0x8;
	v2 =	vbroadcast v5, $0xE  }
0x1b: {  	v6 =	vld [tilespmem:s30+$0xFFFFFF80];
	v10 =	vbroadcast v1, $0x2;
	v0 =	vbroadcast v1, $0xF  }
0x1c: {  	v7 =	vld [tilespmem:s30+$0xFFFFFF00];
	v8 =	vbroadcast v5, $0x2;
	v13 =	vbroadcast v5, $0x7  }
0x1d: {  	v12 =	vld [tilespmem:s30+$0x10];
	v14 =	vbroadcast v1, $0x0;
	v18 =	vbroadcast v5, $0xC  }
0x1e: {  	v11 =	vld [tilespmem:s30+$0xFFFFFF20];
	v16 =	vbroadcast v5, $0x0;
	v19 =	vbroadcast v5, $0x1  }
0x1f: {  	v15 =	vld [tilespmem:s30+$0xFFFFFF30];
	v20 =	vbroadcast v1, $0x7;
	v22 =	vbroadcast v5, $0x9  }
0x20: {  	v17 =	vld [tilespmem:s30+$0xFFFFFF40];
	v25 =	vbroadcast v1, $0x6;
	v27 =	vbroadcast v5, $0xA  }
0x21: {  	v21 =	vld [tilespmem:s30+$0xFFFFFFF0];
	v4 =	vbroadcast v1, $0xA;
	v30 =	vbroadcast v5, $0x3  }
0x22: {  	v24 =	vld [tilespmem:s30+$0xFFFFFF70];
	v32 =	vbroadcast v5, $0xB;
	v36 =	vbroadcast v1, $0x4  }
0x23: {  	v26 =	vld [tilespmem:s30+$0xFFFFFF60];
	v39 =	vbroadcast v1, $0x1;
	v44 =	vbroadcast v5, $0x5  }
0x24: {  	v29 =	vld [tilespmem:s30+$0xFFFFFFC0];
	v46 =	vbroadcast v1, $0x5;
	v48 =	vbroadcast v5, $0x6  }
0x25: {  	v34 =	vld [tilespmem:s30+$0xFFFFFFA0];
	v53 =	vbroadcast v1, $0x8;
	v60 =	vbroadcast v1, $0x9  }
0x26: {  	v37 =	vld [tilespmem:s30+$0xFFFFFFB0];
	v23 =	vmul.f32 v7, v16;
	v3 =	vmul.f32 v12, v9  }
0x27: {  	v40 =	vld [tilespmem:s30+$0xFFFFFF10];
	v28 =	vmul.f32 v11, v19;
	v33 =	vmul.f32 v17, v8  }
0x28: {  	v42 =	vld [tilespmem:s30+$0xFFFFFFD0];
	v35 =	vmul.f32 v21, v13;
	v38 =	vmul.f32 v24, v30  }
0x29: {  	v45 =	vld [tilespmem:s30+$0xFFFFFFE0];
	v30 =	vmul.f32 v26, v30;
	v41 =	vmul.f32 v6, v36  }
0x2a: {  	v43 =	vmul.f32 v29, v25;
	v11 =	vmul.f32 v11, v39  }
0x2b: {  	v51 =	vld [tilespmem:s30+$0x30];
	v49 =	vmul.f32 v34, v44;
	v44 =	vmul.f32 v37, v44  }
0x2c: {  	v52 =	vld [tilespmem:s30+$0x20];
	v19 =	vmul.f32 v15, v19;
	v34 =	vmul.f32 v34, v46  }
0x2d: {  	v58 =	vld [tilespmem:s30+$0x0];
	v29 =	vmul.f32 v29, v48;
	v48 =	vmul.f32 v42, v48  }
0x2e: {  	v31 =	vld [tilespmem:s30+$0xFFFFFF50];
	v13 =	vmul.f32 v45, v13;
	v55 =	vmul.f32 v40, v14  }
0x2f: {  	v47 =	vimm.f32 $0.0e+00;
	v7 =	vmul.f32 v7, v14;
	v37 =	vmul.f32 v37, v46  }
0x30: {  	v14 =	vmul.f32 v51, v22;
	v15 =	vmul.f32 v15, v39;
	v23 =	vadd.f32 v23, v47  }
0x31: {  	v59 =	vmul.f32 v21, v20;
	v42 =	vmul.f32 v42, v25  }
0x32: {  	v9 =	vmul.f32 v58, v9;
	v22 =	vmul.f32 v52, v22;
	v23 =	vadd.f32 v28, v23  }
0x33: {  	v50 =	vld [tilespmem:s30+$0xFFFFFF90];
	v12 =	vmul.f32 v12, v53;
	v28 =	vmul.f32 v31, v8  }
0x34: {  	v8 =	vmul.f32 v40, v16;
	v16 =	vadd.f32 v33, v23;
	v23 =	vbroadcast v5, $0x4  }
0x35: {  	v57 =	vadd.f32 v7, v47;
	v31 =	vmul.f32 v31, v10;
	v10 =	vmul.f32 v17, v10  }
0x36: {  	v17 =	vld [tilespmem:s30+$0x60];
	v8 =	vadd.f32 v8, v47;
	v30 =	vadd.f32 v30, v16;
	v6 =	vmul.f32 v6, v23  }
0x37: {  	v7 =	vbroadcast v5, $0xD;
	v40 =	vmul.f32 v45, v20;
	v33 =	vadd.f32 v55, v47  }
0x38: {  	v56 =	vmul.f32 v50, v23;
	v16 =	vld [tilespmem:s30+$0x50];
	v19 =	vadd.f32 v19, v8;
	v6 =	vadd.f32 v6, v30  }
0x39: {  	v23 =	vadd.f32 v11, v57;
	v11 =	vmul.f32 v52, v60;
	v15 =	vadd.f32 v15, v33  }
0x3a: {  	v8 =	vld [tilespmem:s30+$0x90];
	v30 =	vbroadcast v1, $0x3;
	v19 =	vadd.f32 v28, v19;
	v6 =	vadd.f32 v49, v6  }
0x3b: {  	v61 =	vmul.f32 v17, v32;
	v15 =	vadd.f32 v31, v15;
	v10 =	vadd.f32 v10, v23  }
0x3c: {  	v25 =	vld [tilespmem:s30+$0x70];
	v28 =	vmul.f32 v58, v53;
	v24 =	vmul.f32 v24, v30;
	v20 =	vadd.f32 v29, v6  }
0x3d: {  	v19 =	vadd.f32 v38, v19;
	v23 =	vmul.f32 v26, v30;
	v21 =	vmul.f32 v16, v27  }
0x3e: {  	v29 =	vld [tilespmem:s30+$0x40];
	v15 =	vadd.f32 v24, v15;
	v24 =	vmul.f32 v50, v36;
	v13 =	vadd.f32 v13, v20  }
0x3f: {  	v6 =	vmul.f32 v8, v18;
	v19 =	vadd.f32 v56, v19;
	v10 =	vadd.f32 v23, v10  }
0x40: {  	v26 =	vld [tilespmem:s30+$0xB0];
	v36 =	vmul.f32 v51, v60;
	v15 =	vadd.f32 v24, v15;
	v9 =	vadd.f32 v9, v13  }
0x41: {  	v20 =	vld [tilespmem:s30+$0x80];
	v10 =	vadd.f32 v41, v10;
	v13 =	vadd.f32 v44, v19;
	v19 =	vmul.f32 v25, v32  }
0x42: {  	v30 =	vld [tilespmem:s30+$0xD0];
	v15 =	vadd.f32 v37, v15;
	v32 =	vbroadcast v1, $0xC;
	v9 =	vadd.f32 v22, v9  }
0x43: {  	v23 =	vld [tilespmem:s30+$0xF0];
	v24 =	vmul.f32 v29, v4;
	v13 =	vadd.f32 v48, v13;
	v22 =	vadd.f32 v34, v10  }
0x44: {  	v62 =	vmul.f32 v29, v27;
	v29 =	vbroadcast v1, $0xB;
	v15 =	vadd.f32 v42, v15  }
0x45: {  	v27 =	vbroadcast v5, $0xF;
	v10 =	vadd.f32 v35, v13;
	v13 =	vadd.f32 v43, v22  }
0x46: {  	v5 =	vld [tilespmem:s30+$0xE0];
	v31 =	vmul.f32 v20, v18;
	v22 =	vadd.f32 v59, v15;
	v63 =	vadd.f32 v62, v9  }
0x47: {  	v18 =	vmul.f32 v26, v7;
	v15 =	vmul.f32 v30, v2;
	v9 =	vld [tilespmem:s30+$0xC0];
	v33 =	vadd.f32 v40, v13  }
0x48: {  	s18 =	simm.s32 $0x10;
	s15 =	simm.s32 $0x20;
	s16 =	simm.s32 $0x300;
	v34 =	vld [tilespmem:s30+$0xA0];
	v13 =	vmul.f32 v23, v27;
	v35 =	vadd.f32 v12, v22;
	v12 =	vadd.f32 v61, v63  }
.LBB2_3:
0x49: {  	s17 =	smov.u32 s18  }
0x4a: {  	s19 =	sand.u32 $0x70, s18;
	s20 =	sand.u32 $0xF00, s15;
	v22 =	vld [tilespmem:s16+$0xFFFFFF80];
	v3 =	vadd.f32 v3, v10;
	v37 =	vbroadcast v1, $0xD;
	v1 =	vbroadcast v1, $0xE;
	s17 =	sadd.s32 $0x10, s18  }
0x4b: {  	p0 =	sne.s32 s18, $0x7F0;
	v4 =	vmul.f32 v16, v4;
	s19 =	sor.u32 s19, s20;
	v35 =	vadd.f32 v36, v35;
	v16 =	vadd.f32 v31, v12;
	v38 =	vld [tilespmem:s16+$0xFFFFFF20]  }
0x4c: {  	v3 =	vadd.f32 v14, v3;
	v14 =	vmul.f32 v9, v2;
	v31 =	vmul.f32 v9, v1;
	v10 =	vld [tilespmem:s16+$0x10]  }
0x4d: {  	v2 =	vadd.f32 v4, v35;
	v4 =	vmul.f32 v25, v29;
	v12 =	vld [tilespmem:s16+$0x40]  }
0x4e: {  	v35 =	vadd.f32 v21, v3;
	v36 =	vmul.f32 v34, v37;
	v3 =	vmul.f32 v30, v1;
	v9 =	vld [tilespmem:s19+$0x10000]  }
0x4f: {  	v2 =	vadd.f32 v4, v2;
	v4 =	vmul.f32 v8, v32;
	v8 =	vmul.f32 v5, v0;
	v1 =	vld [tilespmem:s19+$0x10080]  }
0x50: {  	v17 =	vmul.f32 v17, v29;
	v26 =	vmul.f32 v26, v37;
	v30 =	vld [tilespmem:s16+$0xFFFFFF30]  }
0x51: {  	v7 =	vmul.f32 v34, v7;
	v34 =	vmul.f32 v23, v0;
	v4 =	vadd.f32 v4, v2;
	v37 =	vld [tilespmem:s16+$0xFFFFFF50]  }
0x52: {  	v39 =	vmul.f32 v5, v27;
	v32 =	vmul.f32 v20, v32;
	v21 =	vld [tilespmem:s16+$0xFFFFFF40]  }
0x53: {  	v5 =	vadd.f32 v7, v16;
	v40 =	vld [tilespmem:s16+$0xFFFFFF10];
	v25 =	vbroadcast v9, $0x8;
	v2 =	vbroadcast v9, $0xE  }
0x54: {  	v4 =	vadd.f32 v26, v4;
	v7 =	vld [tilespmem:s16+$0xFFFFFF00];
	v41 =	vbroadcast v1, $0x2;
	v0 =	vbroadcast v1, $0xF  }
0x55: {  	v27 =	vadd.f32 v28, v33;
	v16 =	vbroadcast v9, $0x2;
	v42 =	vbroadcast v9, $0x7;
	v20 =	vld [tilespmem:s16+$0xFFFFFF70]  }
0x56: {  	v23 =	vbroadcast v9, $0xC;
	v28 =	vbroadcast v1, $0x0;
	v33 =	vadd.f32 v3, v4;
	v26 =	vld [tilespmem:s16+$0xFFFFFF60]  }
0x57: {  	v43 =	vbroadcast v9, $0x0;
	v44 =	vbroadcast v9, $0x1;
	v4 =	vadd.f32 v11, v27;
	v45 =	vld [tilespmem:s16+$0xFFFFFFB0]  }
0x58: {  	v14 =	vadd.f32 v14, v5;
	v47 =	vbroadcast v9, $0x9;
	v46 =	vbroadcast v1, $0x7;
	v11 =	vld [tilespmem:s16+$0xFFFFFFF0]  }
0x59: {  	v3 =	vmul.f32 v10, v25;
	v5 =	vadd.f32 v24, v4;
	v48 =	vmul.f32 v7, v43;
	v49 =	vld [tilespmem:s16+$0xFFFFFFD0]  }
0x5a: {  	v19 =	vadd.f32 v19, v35;
	v50 =	vbroadcast v1, $0x6;
	v27 =	vbroadcast v9, $0xA;
	v24 =	vld [tilespmem:s16+$0xFFFFFFC0]  }
0x5b: {  	v35 =	vmul.f32 v38, v44;
	v4 =	vbroadcast v1, $0xA;
	v17 =	vadd.f32 v17, v5;
	v51 =	vld [tilespmem:s16+$0xFFFFFFA0]  }
0x5c: {  	v6 =	vadd.f32 v6, v19;
	v52 =	vbroadcast v9, $0x3;
	v54 =	vbroadcast v9, $0xB;
	v53 =	vld [tilespmem:s16+$0xFFFFFFE0]  }
0x5d: {  	v14 =	vadd.f32 v39, v14;
	v19 =	vmul.f32 v21, v16;
	v29 =	vmul.f32 v11, v42;
	v5 =	vld [tilespmem:s16+$0xE0]  }
0x5e: {  	v55 =	vbroadcast v1, $0x4;
	v39 =	vmul.f32 v20, v52;
	v17 =	vadd.f32 v32, v17  }
0x5f: {  	v32 =	vbroadcast v1, $0x1;
	v14 =	vadd.f32 v48, v14;
	v48 =	vmul.f32 v26, v52  }
0x60: {  	v6 =	vadd.f32 v18, v6;
	v52 =	vmul.f32 v22, v55;
	v56 =	vmul.f32 v24, v50  }
0x61: {  	v18 =	vmul.f32 v38, v32;
	v38 =	vbroadcast v9, $0x5;
	v17 =	vadd.f32 v36, v17  }
0x62: {  	v36 =	vbroadcast v9, $0x6;
	v14 =	vadd.f32 v35, v14;
	v35 =	vbroadcast v1, $0x5  }
0x63: {  	v17 =	vadd.f32 v31, v17;
	v57 =	vmul.f32 v51, v38;
	v38 =	vmul.f32 v45, v38  }
0x64: {  	v6 =	vadd.f32 v15, v6;
	v31 =	vmul.f32 v30, v44;
	v51 =	vmul.f32 v51, v35;
	v44 =	vld [tilespmem:s16+$0xFFFFFF90]  }
0x65: {  	v33 =	vadd.f32 v34, v33;
	v15 =	vmul.f32 v24, v36;
	v24 =	vmul.f32 v49, v36;
	v36 =	vld [tilespmem:s16+$0x30]  }
0x66: {  	v14 =	vadd.f32 v19, v14;
	v19 =	vmul.f32 v37, v16;
	v34 =	vmul.f32 v53, v42;
	v42 =	vld [tilespmem:s16+$0x20]  }
0x67: {  	v16 =	vmul.f32 v40, v43;
	v43 =	vbroadcast v9, $0x4;
	v8 =	vadd.f32 v8, v17  }
0x68: {  	v6 =	vadd.f32 v13, v6;
	v17 =	vmul.f32 v40, v28;
	v40 =	vmul.f32 v53, v46  }
0x69: {  	v7 =	vmul.f32 v7, v28;
	v13 =	vadd.f32 v48, v14;
	v28 =	vmul.f32 v44, v43  }
0x6a: {  	v37 =	vmul.f32 v37, v41;
	v35 =	vmul.f32 v45, v35;
	v33 =	vadd.f32 v17, v33  }
0x6b: {  	v6 =	vadd.f32 v16, v6;
	v17 =	vadd.f32 v7, v8;
	v14 =	vmul.f32 v36, v47;
	v45 =	vld [tilespmem:s16+$0x0]  }
0x6c: {  	v30 =	vmul.f32 v30, v32;
	v22 =	vmul.f32 v22, v43;
	v16 =	vld [tilespmem:s16+$0x50]  }
0x6d: {  	v32 =	vmul.f32 v11, v46;
	v7 =	vbroadcast v9, $0xD;
	v6 =	vadd.f32 v31, v6;
	v8 =	vld [tilespmem:s16+$0x90]  }
0x6e: {  	v11 =	vadd.f32 v22, v13;
	v13 =	vmul.f32 v49, v50;
	v22 =	vbroadcast v1, $0x8  }
0x6f: {  	v31 =	vbroadcast v1, $0x3;
	v18 =	vadd.f32 v18, v17;
	v43 =	vbroadcast v1, $0x9;
	v17 =	vld [tilespmem:s16+$0x60]  }
0x70: {  	v41 =	vmul.f32 v21, v41;
	v46 =	vadd.f32 v57, v11;
	v48 =	vmul.f32 v45, v25  }
0x71: {  	v19 =	vadd.f32 v19, v6;
	v11 =	vmul.f32 v42, v43;
	v21 =	vmul.f32 v16, v27  }
0x72: {  	v30 =	vadd.f32 v30, v33;
	v15 =	vadd.f32 v15, v46;
	v6 =	vmul.f32 v8, v23  }
0x73: {  	v33 =	vmul.f32 v20, v31;
	v19 =	vadd.f32 v39, v19;
	v39 =	vmul.f32 v42, v47;
	v25 =	vld [tilespmem:s16+$0x70]  }
0x74: {  	v30 =	vadd.f32 v37, v30;
	v15 =	vadd.f32 v34, v15;
	v34 =	vmul.f32 v17, v54;
	v20 =	vld [tilespmem:s16+$0x80]  }
0x75: {  	v26 =	vmul.f32 v26, v31;
	v18 =	vadd.f32 v41, v18;
	v19 =	vadd.f32 v28, v19  }
0x76: {  	v30 =	vadd.f32 v33, v30;
	v31 =	vmul.f32 v44, v55;
	v15 =	vadd.f32 v48, v15  }
0x77: {  	v18 =	vadd.f32 v26, v18;
	v33 =	vadd.f32 v38, v19;
	v28 =	vmul.f32 v45, v22;
	v26 =	vld [tilespmem:s16+$0xB0]  }
0x78: {  	v37 =	vadd.f32 v31, v30;
	v15 =	vadd.f32 v39, v15;
	v19 =	vmul.f32 v25, v54  }
0x79: {  	v18 =	vadd.f32 v52, v18;
	v33 =	vadd.f32 v24, v33;
	v31 =	vmul.f32 v20, v23;
	v30 =	vld [tilespmem:s16+$0xD0]  }
0x7a: {  	v35 =	vadd.f32 v35, v37;
	v24 =	vmul.f32 v12, v4;
	v23 =	vld [tilespmem:s16+$0xF0]  }
0x7b: {  	v37 =	vadd.f32 v51, v18;
	v12 =	vmul.f32 v12, v27;
	v22 =	vmul.f32 v10, v22  }
.Ltmp0:
0x7c: {  	v13 =	vadd.f32 v13, v35;
	v10 =	vadd.f32 v29, v33;
	v18 =	vmul.f32 v26, v7;
	(pc) =	sbr.rel @p0 .LBB2_3-.Ltmp0, $4  }
0x7d: {  	v33 =	vadd.f32 v56, v37;
	v29 =	vbroadcast v1, $0xB;
	v27 =	vbroadcast v9, $0xF  }
0x7e: {  	v35 =	vadd.f32 v32, v13;
	v12 =	vadd.f32 v12, v15;
	v9 =	vld [tilespmem:s16+$0xC0];
	v15 =	vmul.f32 v30, v2  }
0x7f: {  	v32 =	vbroadcast v1, $0xC;
	v33 =	vadd.f32 v40, v33;
	v13 =	vmul.f32 v23, v27  }
0x80: {  	s15 =	sadd.s32 $0x20, s15;
	s18 =	smov.u32 s17;
	v36 =	vmul.f32 v36, v43;
	v35 =	vadd.f32 v22, v35;
	v12 =	vadd.f32 v34, v12;
	v34 =	vld [tilespmem:s16+$0xA0];
	s16 =	sadd.s32 $0x200, s16  }
0x81: {  	v3 =	vadd.f32 v3, v10  }
0x82: {  	v40 =	vadd.f32 v28, v33  }
0x83: {  	v22 =	vbroadcast v1, $0xD;
	v41 =	vbroadcast v1, $0xE;
	v3 =	vadd.f32 v14, v3  }
0x84: {  	v4 =	vmul.f32 v16, v4;
	v45 =	vmul.f32 v17, v29;
	v10 =	vadd.f32 v11, v40  }
0x85: {  	v46 =	vmul.f32 v25, v29;
	v42 =	vadd.f32 v36, v35;
	v3 =	vadd.f32 v21, v3  }
0x86: {  	v47 =	vmul.f32 v20, v32;
	v8 =	vmul.f32 v8, v32;
	v10 =	vadd.f32 v24, v10  }
0x87: {  	v50 =	vmul.f32 v5, v27;
	v4 =	vadd.f32 v4, v42;
	v3 =	vadd.f32 v19, v3  }
0x88: {  	v43 =	vadd.f32 v31, v12;
	v7 =	vmul.f32 v34, v7;
	v10 =	vadd.f32 v45, v10  }
0x89: {  	v2 =	vmul.f32 v9, v2;
	v4 =	vadd.f32 v46, v4;
	v3 =	vadd.f32 v6, v3  }
0x8a: {  	v48 =	vmul.f32 v34, v22;
	v7 =	vadd.f32 v7, v43;
	v10 =	vadd.f32 v47, v10  }
0x8b: {  	v49 =	vmul.f32 v26, v22;
	v4 =	vadd.f32 v8, v4;
	v3 =	vadd.f32 v18, v3  }
0x8c: {  	v44 =	vmul.f32 v9, v41;
	v2 =	vadd.f32 v2, v7;
	v6 =	vadd.f32 v48, v10  }
0x8d: {  	v1 =	vmul.f32 v30, v41;
	v4 =	vadd.f32 v49, v4;
	v3 =	vadd.f32 v15, v3  }
0x8e: {  	v51 =	vmul.f32 v5, v0;
	v2 =	vadd.f32 v50, v2;
	v6 =	vadd.f32 v44, v6  }
0x8f: {  	v52 =	vmul.f32 v23, v0;
	v1 =	vadd.f32 v1, v4;
	v3 =	vadd.f32 v13, v3  }
0x90: {  	v54 =	vmul.f32 $1.442695020e+00, v2;
	v53 =	vadd.f32 v51, v6  }
0x91: {  	v0 =	vadd.f32 v52, v1;
	v55 =	vmul.f32 $1.442695020e+00, v3  }
0x92: {  	(erf) = vpow2.f32 v54;
	v56 =	vmul.f32 $1.442695020e+00, v53  }
0x93: {  	v57 =	vmul.f32 $1.442695020e+00, v0;
	(erf) = vpow2.f32 v55  }
0x94: {  	(erf) = vpow2.f32 v56  }
0x95: {  	(erf) = vpow2.f32 v57;
	_ =	sdelay $0x5  }
0x96: {  	v58 =	vpop (erf)  }
0x97: {  	s13 =	sadd.s32 $0x1, s13;
	v1 =	vadd.f32 $-1.000000000e+00, v58;
	v59 =	vpop (erf)  }
0x98: {  	p0 =	sne.s32 s13, $0xC;
	vm0 =	vgt.f32 v2, $0.0e+00;
	v60 =	vpop (erf);
	v5 =	vadd.f32 $-1.000000000e+00, v59  }
.Ltmp1:
0x99: {  	s14 =	sshrl.u32 s14, $0x2;
	vm13 =	vgt.f32 v3, $0.0e+00;
	v1 =	vsel vm0, v2, v1;
	v61 =	vadd.f32 $-1.000000000e+00, v60;
	v62 =	vpop (erf);
	(pc) =	sbr.rel @p0 .LBB2_2-.Ltmp1, $4  }
0x9a: {  	vm14 =	vgt.f32 v53, $0.0e+00;
	[tilespmem:s14+$0x11000] =	vst v1;
	v3 =	vsel vm13, v3, v5;
	v63 =	vadd.f32 $-1.000000000e+00, v62  }
0x9b: {  	vm15 =	vgt.f32 v0, $0.0e+00;
	[tilespmem:s14+$0x11010] =	vst v3;
	v2 =	vsel vm14, v53, v61  }
0x9c: {  	v0 =	vsel vm15, v0, v63;
	[tilespmem:s14+$0x11020] =	vst v2  }
0x9d: {  	[tilespmem:s14+$0x11030] =	vst v0  }
0x9e: {  	s12 =	sadd.s32 $0x1, s12  }
0x9f: {  	p0 =	sne.s32 s12, s7  }
.Ltmp2:
0xa0: {  	_ = 	snop;
	(pc) =	sbr.rel @p0 .LBB2_1-.Ltmp2, $4  }
0xa1: {  	[hbm4b:s6+s3] =	stream.linear.scatter [tilespmem:s11], [sflag:$0x1], $0x300, $0x38;
	[tilespmem:$0x11300] =	vst v63  }
0xa2: {  	_ =	swait.ge [sflag:s8], $0x300  }
0xa3: {  	[sflag:s8] =	ssyncset.done $0x0  }
0xa4: {  	[sflag:s8] =	ssyncadd.s32 $0xFFFFFD00  }
0xa5: {  	_ =	sfence.sel $0x180000  }
0xa6: {  	[bflag:$0x0] =	sbarrier.arrive $0xFFFF  }
0xa7: {  	p0 =	sne.s32 s0, $0x0;
	_ =	strace $0x90000047  }
0xa8: {  	s0 =	sadd.s32 @!p0 $0x100000, s1;
	[bflag:$0x2] =	sbarrier.arrive $0xFFFF  }
0xa9: {  	[sflag:s0] =	ssyncadd.tile.s32 @!p0 $0x1;
	_ =	shalt  }
.Lfunc_end2:
_tile_overlayer_lowered:
.L_overlay_start_2:
0xaa: {  	(tag) =	ssettag $0x2  }
0xab: {  	s0 =	rddreg [dreg:$0x0];
	s2 =	stileid.u32  }
0xac: {  	s1 =	rddreg [dreg:$0x1];
	p0 =	sne.s32 s2, $0x0  }
0xad: {  	s3 =	rddreg [dreg:$0x2];
	[bflag:$0x3] =	sbarrier.arrive $0xFFFF;
	s2 =	simm.s32 @!p0 $0x1C01  }
0xae: {  	[timem:s3], [sflag:s2] =	dma.local @!p0 [hbm:s0], s1  }
0xaf: {  	s0 =	simm.s32 @!p0 $0x1  }
0xb0: {  	_ =	swait.ge @!p0 [sflag:s0], s1  }
0xb1: {  	s1 =	ssub.s32 @!p0 $0x0, s1;
	[sflag:s0] =	ssyncset.done @!p0 $0x0  }
0xb2: {  	[sflag:s0] =	ssyncadd.s32 @!p0 s1  }
0xb3: {  	[bflag:$0x3] =	sbarrier.arrive $0xFFFF  }
0xb4: {  	_ =	shalt  }

</sc_bundles>
